<compile_context>
chip_gen: v7x
topology: tpu7x:2x2x1
jax: 0.10.2.dev20260603
libtpu: 0.0.44.dev20260713+nightly
codegen_flags: <defaults>
</compile_context>

<pallas_src>
import functools

import jax
import jax.numpy as jnp
from jax import lax
from jax.experimental import pallas as pl
from jax.experimental.pallas import tpu as pltpu
from jax.experimental.pallas import tpu_sc as plsc

TOKEN_LENGTH = 32
HIDDEN_SIZE = 128
BLOCK_ROWS = 512
NUM_WORKERS = 32


def _tc_body(x_ref, tab_ref, emb_ref):
    amp = x_ref[...].astype(jnp.float32) * 2.0 - 1.0
    tab = tab_ref[...]
    emb_ref[...] = amp[:, :, None] * tab[None, :, :]


def _tc_embeddings(x, emb_table):
    n, L = x.shape
    H = emb_table.shape[1]
    R = BLOCK_ROWS
    grid = (n // R,)
    return pl.pallas_call(
        _tc_body,
        grid=grid,
        in_specs=[
            pl.BlockSpec((R, L), lambda i: (i, 0)),
            pl.BlockSpec((L, H), lambda i: (0, 0)),
        ],
        out_specs=pl.BlockSpec((R, L, H), lambda i: (i, 0, 0)),
        out_shape=jax.ShapeDtypeStruct((n, L, H), jnp.float32),
    )(x, emb_table)


def _sc_logit(x, emb_table_t):
    N, L = x.shape
    H = emb_table_t.shape[0]
    rows_per = N // NUM_WORKERS
    mesh = plsc.VectorSubcoreMesh(core_axis_name="c", subcore_axis_name="s")

    @functools.partial(
        pl.kernel,
        out_type=jax.ShapeDtypeStruct((N, L), jnp.float32),
        mesh=mesh,
        scratch_types=[
            pltpu.VMEM((H, L), jnp.float32),
            pltpu.VMEM((rows_per, L), jnp.int32),
            pltpu.VMEM((rows_per, L), jnp.float32),
        ],
    )
    def sc_kernel(x_hbm, tabt_hbm, out_hbm, tabt_v, x_v, out_v):
        wid = lax.axis_index("s") * 2 + lax.axis_index("c")
        base = wid * rows_per
        pltpu.sync_copy(tabt_hbm, tabt_v)
        pltpu.sync_copy(x_hbm.at[pl.ds(base, rows_per)], x_v)

        rs = []
        for j in range(2):
            acc = jnp.zeros((16,), jnp.float32)
            for h in range(H):
                acc = acc + tabt_v[h, pl.ds(16 * j, 16)]
            rs.append(acc)

        def body(i, carry):
            for j in range(2):
                xv = x_v[i, pl.ds(16 * j, 16)]
                amp = xv.astype(jnp.float32) * 2.0 - 1.0
                out_v[i, pl.ds(16 * j, 16)] = amp * rs[j]
            return carry

        lax.fori_loop(0, rows_per, body, 0)
        pltpu.sync_copy(out_v, out_hbm.at[pl.ds(base, rows_per)])

    return sc_kernel(x, emb_table_t)


def kernel(text_batch, emb_table):
    B, S, L = text_batch.shape
    H = emb_table.shape[1]
    N = B * S
    x = text_batch.reshape(N, L)
    emb_flat = _tc_embeddings(x, emb_table)
    logit_flat = _sc_logit(x, emb_table.T)
    embeddings = emb_flat.reshape(B, S, L, H)
    logit_prime = logit_flat.reshape(B, S, L, 1)
    return embeddings, logit_prime

# --- scband reference (transcript-rebuilt; emitter-appended) ---
"""Pipeline reference for scband-binary-embedding-layer-67688684585261 (READ-ONLY COPY).

The authoritative reference and input builder live on the scoring server;
editing this copy changes nothing except your own understanding.
"""

import jax, jax.numpy as jnp
import numpy as np

TOKEN_LENGTH = 32
HIDDEN_SIZE = 128


def setup_inputs(seed: int = 0) -> dict:
    key = jax.random.key(seed)
    k1, k2 = jax.random.split(key)
    text_batch = jax.random.randint(k1, (4, 2048, TOKEN_LENGTH), 0, 2, dtype=jnp.int64 if jax.config.jax_enable_x64 else jnp.int32)
    # nn.Embedding(vocab=32, hidden=128) weight, N(0,1) init like torch default
    emb_table = jax.random.normal(k2, (TOKEN_LENGTH, HIDDEN_SIZE), dtype=jnp.float32)
    return {"text_batch": text_batch, "emb_table": emb_table}


def reference(text_batch, emb_table):
    # BinaryEmbeddingLayer.forward -> bytes_to_embeddings -> BinaryEmbedding.forward per batch element.
    # The per-element loop is equivalent to a vectorized computation over the batch dim.
    B, S, L = text_batch.shape
    # flatten like BinaryEmbedding does when given 2D input per sequence: here each sequence is [S, L]
    flat = text_batch.reshape(B * S, L)
    amplitude = flat.astype(jnp.float32) * 2.0 - 1.0          # [B*S, L]
    position_indices = jnp.broadcast_to(jnp.arange(L), (B * S, L))
    base_embeddings = jnp.take(emb_table, position_indices, axis=0)  # gather -> [B*S, L, H]
    embeddings = base_embeddings * amplitude[..., None]        # [B*S, L, H]
    logit_prime = jnp.sum(embeddings, axis=2, keepdims=True)   # [B*S, L, 1]
    embeddings = embeddings.reshape(B, S, L, HIDDEN_SIZE)
    logit_prime = logit_prime.reshape(B, S, L, 1)
    return embeddings, logit_prime


if False:  # reference __main__ guard neutralized (emitter)
    out = reference(**setup_inputs())
    print(out[0].shape, out[1].shape)

if __name__ == "__main__":
    import jax
    _d = setup_inputs()
    print(jax.jit(kernel)(*tuple(_d.values())))

</pallas_src>

<mosaic_0001>
#map = affine_map<(d0, d1) -> (0, 0)>
module attributes {stable_mosaic.version = 14 : i64} {
  func.func @sc_kernel(%arg0: i32, %arg1: i32, %arg2: memref<8192x32xi32, #tpu.memory_space<hbm>>, %arg3: memref<128x32xf32, #tpu.memory_space<hbm>>, %arg4: memref<8192x32xf32, #tpu.memory_space<hbm>>, %arg5: memref<128x32xf32, #tpu.memory_space<vmem>>, %arg6: memref<256x32xi32, #tpu.memory_space<vmem>>, %arg7: memref<256x32xf32, #tpu.memory_space<vmem>>) attributes {dimension_semantics = [#tpu.dimension_semantics<core_parallel>, #tpu.dimension_semantics<subcore_parallel>], iteration_bounds = array<i64: 2, 16>, scalar_prefetch = 0 : i64, scratch_operands = 3 : i64, tpu.core_type = #tpu.core_type<sc_vector_subcore>, window_params = [{transform_indices = #map}, {transform_indices = #map}, {transform_indices = #map}]} {
    %mul3A = arith.constant 2 : i32
    %mul3A_0 = arith.muli %arg1, %mul3A : i32
    %add3A = arith.addi %mul3A_0, %arg0 : i32
    %mul3A_1 = arith.constant 256 : i32
    %mul3A_2 = arith.muli %add3A, %mul3A_1 : i32
    "tpu.region"() ({
      %run_scoped3A = tpu.sem_alloc : memref<!tpu.dma_semaphore, #tpu.memory_space<semaphore_mem>>
      tpu.enqueue_dma source(%arg3 : memref<128x32xf32, #tpu.memory_space<hbm>>) target(%arg5 : memref<128x32xf32, #tpu.memory_space<vmem>>) target_semaphore(%run_scoped3A : memref<!tpu.dma_semaphore, #tpu.memory_space<semaphore_mem>>)
      tpu.wait_dma2 semaphore(%run_scoped3A : memref<!tpu.dma_semaphore, #tpu.memory_space<semaphore_mem>>) src(%arg3 : memref<128x32xf32, #tpu.memory_space<hbm>>) dst(%arg5 : memref<128x32xf32, #tpu.memory_space<vmem>>)
      tpu.yield
    }) : () -> ()
    "tpu.region"() ({
      %run_scoped3A = tpu.sem_alloc : memref<!tpu.dma_semaphore, #tpu.memory_space<semaphore_mem>>
      %dma_start3A = arith.constant 0 : i32
      %dma_start3A_1546 = tpu.memref_slice %arg2[%mul3A_2, %dma_start3A] : memref<8192x32xi32, #tpu.memory_space<hbm>> -> memref<256x32xi32, #tpu.memory_space<hbm>>
      %dma_start3A_1547 = arith.constant 0 : i32
      %dma_start3A_1548 = tpu.memref_slice %arg2[%mul3A_2, %dma_start3A_1547] : memref<8192x32xi32, #tpu.memory_space<hbm>> -> memref<256x32xi32, #tpu.memory_space<hbm>>
      tpu.enqueue_dma source(%dma_start3A_1548 : memref<256x32xi32, #tpu.memory_space<hbm>>) target(%arg6 : memref<256x32xi32, #tpu.memory_space<vmem>>) target_semaphore(%run_scoped3A : memref<!tpu.dma_semaphore, #tpu.memory_space<semaphore_mem>>)
      %dma_wait3A = arith.constant 0 : i32
      %dma_wait3A_1549 = tpu.memref_slice %arg2[%mul3A_2, %dma_wait3A] : memref<8192x32xi32, #tpu.memory_space<hbm>> -> memref<256x32xi32, #tpu.memory_space<hbm>>
      %dma_wait3A_1550 = arith.constant 0 : i32
      %dma_wait3A_1551 = tpu.memref_slice %arg2[%mul3A_2, %dma_wait3A_1550] : memref<8192x32xi32, #tpu.memory_space<hbm>> -> memref<256x32xi32, #tpu.memory_space<hbm>>
      tpu.wait_dma2 semaphore(%run_scoped3A : memref<!tpu.dma_semaphore, #tpu.memory_space<semaphore_mem>>) src(%dma_wait3A_1551 : memref<256x32xi32, #tpu.memory_space<hbm>>) dst(%arg6 : memref<256x32xi32, #tpu.memory_space<vmem>>)
      tpu.yield
    }) : () -> ()
    %broadcast_in_dim3A = arith.constant 0.000000e+00 : f32
    %broadcast_in_dim3A_3 = vector.broadcast %broadcast_in_dim3A : f32 to vector<16xf32>
    %get3A = arith.constant 0 : i32
    %get3A_4 = arith.index_cast %get3A : i32 to index
    %get3A_5 = arith.constant 0 : index
    %get3A_6 = tpu.vector_load %arg5[%get3A_4, %get3A_5] {strides = array<i32>} : memref<128x32xf32, #tpu.memory_space<vmem>>, vector<1x16xf32>,
    %get3A_7 = vector.shape_cast %get3A_6 : vector<1x16xf32> to vector<16xf32>
    %add3A_8 = arith.addf %broadcast_in_dim3A_3, %get3A_7 : vector<16xf32>
    %get3A_9 = arith.constant 1 : i32
    %get3A_10 = arith.index_cast %get3A_9 : i32 to index
    %get3A_11 = arith.constant 0 : index
    %get3A_12 = tpu.vector_load %arg5[%get3A_10, %get3A_11] {strides = array<i32>} : memref<128x32xf32, #tpu.memory_space<vmem>>, vector<1x16xf32>,
    %get3A_13 = vector.shape_cast %get3A_12 : vector<1x16xf32> to vector<16xf32>
    %add3A_14 = arith.addf %add3A_8, %get3A_13 : vector<16xf32>
    %get3A_15 = arith.constant 2 : i32
    %get3A_16 = arith.index_cast %get3A_15 : i32 to index
    %get3A_17 = arith.constant 0 : index
    %get3A_18 = tpu.vector_load %arg5[%get3A_16, %get3A_17] {strides = array<i32>} : memref<128x32xf32, #tpu.memory_space<vmem>>, vector<1x16xf32>,
    %get3A_19 = vector.shape_cast %get3A_18 : vector<1x16xf32> to vector<16xf32>
    %add3A_20 = arith.addf %add3A_14, %get3A_19 : vector<16xf32>
    %get3A_21 = arith.constant 3 : i32
    %get3A_22 = arith.index_cast %get3A_21 : i32 to index
    %get3A_23 = arith.constant 0 : index
    %get3A_24 = tpu.vector_load %arg5[%get3A_22, %get3A_23] {strides = array<i32>} : memref<128x32xf32, #tpu.memory_space<vmem>>, vector<1x16xf32>,
    %get3A_25 = vector.shape_cast %get3A_24 : vector<1x16xf32> to vector<16xf32>
    %add3A_26 = arith.addf %add3A_20, %get3A_25 : vector<16xf32>
    %get3A_27 = arith.constant 4 : i32
    %get3A_28 = arith.index_cast %get3A_27 : i32 to index
    %get3A_29 = arith.constant 0 : index
    %get3A_30 = tpu.vector_load %arg5[%get3A_28, %get3A_29] {strides = array<i32>} : memref<128x32xf32, #tpu.memory_space<vmem>>, vector<1x16xf32>,
    %get3A_31 = vector.shape_cast %get3A_30 : vector<1x16xf32> to vector<16xf32>
    %add3A_32 = arith.addf %add3A_26, %get3A_31 : vector<16xf32>
    %get3A_33 = arith.constant 5 : i32
    %get3A_34 = arith.index_cast %get3A_33 : i32 to index
    %get3A_35 = arith.constant 0 : index
    %get3A_36 = tpu.vector_load %arg5[%get3A_34, %get3A_35] {strides = array<i32>} : memref<128x32xf32, #tpu.memory_space<vmem>>, vector<1x16xf32>,
    %get3A_37 = vector.shape_cast %get3A_36 : vector<1x16xf32> to vector<16xf32>
    %add3A_38 = arith.addf %add3A_32, %get3A_37 : vector<16xf32>
    %get3A_39 = arith.constant 6 : i32
    %get3A_40 = arith.index_cast %get3A_39 : i32 to index
    %get3A_41 = arith.constant 0 : index
    %get3A_42 = tpu.vector_load %arg5[%get3A_40, %get3A_41] {strides = array<i32>} : memref<128x32xf32, #tpu.memory_space<vmem>>, vector<1x16xf32>,
    %get3A_43 = vector.shape_cast %get3A_42 : vector<1x16xf32> to vector<16xf32>
    %add3A_44 = arith.addf %add3A_38, %get3A_43 : vector<16xf32>
    %get3A_45 = arith.constant 7 : i32
    %get3A_46 = arith.index_cast %get3A_45 : i32 to index
    %get3A_47 = arith.constant 0 : index
    %get3A_48 = tpu.vector_load %arg5[%get3A_46, %get3A_47] {strides = array<i32>} : memref<128x32xf32, #tpu.memory_space<vmem>>, vector<1x16xf32>,
    %get3A_49 = vector.shape_cast %get3A_48 : vector<1x16xf32> to vector<16xf32>
    %add3A_50 = arith.addf %add3A_44, %get3A_49 : vector<16xf32>
    %get3A_51 = arith.constant 8 : i32
    %get3A_52 = arith.index_cast %get3A_51 : i32 to index
    %get3A_53 = arith.constant 0 : index
    %get3A_54 = tpu.vector_load %arg5[%get3A_52, %get3A_53] {strides = array<i32>} : memref<128x32xf32, #tpu.memory_space<vmem>>, vector<1x16xf32>,
    %get3A_55 = vector.shape_cast %get3A_54 : vector<1x16xf32> to vector<16xf32>
    %add3A_56 = arith.addf %add3A_50, %get3A_55 : vector<16xf32>
    %get3A_57 = arith.constant 9 : i32
    %get3A_58 = arith.index_cast %get3A_57 : i32 to index
    %get3A_59 = arith.constant 0 : index
    %get3A_60 = tpu.vector_load %arg5[%get3A_58, %get3A_59] {strides = array<i32>} : memref<128x32xf32, #tpu.memory_space<vmem>>, vector<1x16xf32>,
    %get3A_61 = vector.shape_cast %get3A_60 : vector<1x16xf32> to vector<16xf32>
    %add3A_62 = arith.addf %add3A_56, %get3A_61 : vector<16xf32>
    %get3A_63 = arith.constant 10 : i32
    %get3A_64 = arith.index_cast %get3A_63 : i32 to index
    %get3A_65 = arith.constant 0 : index
    %get3A_66 = tpu.vector_load %arg5[%get3A_64, %get3A_65] {strides = array<i32>} : memref<128x32xf32, #tpu.memory_space<vmem>>, vector<1x16xf32>,
    %get3A_67 = vector.shape_cast %get3A_66 : vector<1x16xf32> to vector<16xf32>
    %add3A_68 = arith.addf %add3A_62, %get3A_67 : vector<16xf32>
    %get3A_69 = arith.constant 11 : i32
    %get3A_70 = arith.index_cast %get3A_69 : i32 to index
    %get3A_71 = arith.constant 0 : index
    %get3A_72 = tpu.vector_load %arg5[%get3A_70, %get3A_71] {strides = array<i32>} : memref<128x32xf32, #tpu.memory_space<vmem>>, vector<1x16xf32>,
    %get3A_73 = vector.shape_cast %get3A_72 : vector<1x16xf32> to vector<16xf32>
    %add3A_74 = arith.addf %add3A_68, %get3A_73 : vector<16xf32>
    %get3A_75 = arith.constant 12 : i32
    %get3A_76 = arith.index_cast %get3A_75 : i32 to index
    %get3A_77 = arith.constant 0 : index
    %get3A_78 = tpu.vector_load %arg5[%get3A_76, %get3A_77] {strides = array<i32>} : memref<128x32xf32, #tpu.memory_space<vmem>>, vector<1x16xf32>,
    %get3A_79 = vector.shape_cast %get3A_78 : vector<1x16xf32> to vector<16xf32>
    %add3A_80 = arith.addf %add3A_74, %get3A_79 : vector<16xf32>
    %get3A_81 = arith.constant 13 : i32
    %get3A_82 = arith.index_cast %get3A_81 : i32 to index
    %get3A_83 = arith.constant 0 : index
    %get3A_84 = tpu.vector_load %arg5[%get3A_82, %get3A_83] {strides = array<i32>} : memref<128x32xf32, #tpu.memory_space<vmem>>, vector<1x16xf32>,
    %get3A_85 = vector.shape_cast %get3A_84 : vector<1x16xf32> to vector<16xf32>
    %add3A_86 = arith.addf %add3A_80, %get3A_85 : vector<16xf32>
    %get3A_87 = arith.constant 14 : i32
    %get3A_88 = arith.index_cast %get3A_87 : i32 to index
    %get3A_89 = arith.constant 0 : index
    %get3A_90 = tpu.vector_load %arg5[%get3A_88, %get3A_89] {strides = array<i32>} : memref<128x32xf32, #tpu.memory_space<vmem>>, vector<1x16xf32>,
    %get3A_91 = vector.shape_cast %get3A_90 : vector<1x16xf32> to vector<16xf32>
    %add3A_92 = arith.addf %add3A_86, %get3A_91 : vector<16xf32>
    %get3A_93 = arith.constant 15 : i32
    %get3A_94 = arith.index_cast %get3A_93 : i32 to index
    %get3A_95 = arith.constant 0 : index
    %get3A_96 = tpu.vector_load %arg5[%get3A_94, %get3A_95] {strides = array<i32>} : memref<128x32xf32, #tpu.memory_space<vmem>>, vector<1x16xf32>,
    %get3A_97 = vector.shape_cast %get3A_96 : vector<1x16xf32> to vector<16xf32>
    %add3A_98 = arith.addf %add3A_92, %get3A_97 : vector<16xf32>
    %get3A_99 = arith.constant 16 : i32
    %get3A_100 = arith.index_cast %get3A_99 : i32 to index
    %get3A_101 = arith.constant 0 : index
    %get3A_102 = tpu.vector_load %arg5[%get3A_100, %get3A_101] {strides = array<i32>} : memref<128x32xf32, #tpu.memory_space<vmem>>, vector<1x16xf32>,
    %get3A_103 = vector.shape_cast %get3A_102 : vector<1x16xf32> to vector<16xf32>
    %add3A_104 = arith.addf %add3A_98, %get3A_103 : vector<16xf32>
    %get3A_105 = arith.constant 17 : i32
    %get3A_106 = arith.index_cast %get3A_105 : i32 to index
    %get3A_107 = arith.constant 0 : index
    %get3A_108 = tpu.vector_load %arg5[%get3A_106, %get3A_107] {strides = array<i32>} : memref<128x32xf32, #tpu.memory_space<vmem>>, vector<1x16xf32>,
    %get3A_109 = vector.shape_cast %get3A_108 : vector<1x16xf32> to vector<16xf32>
    %add3A_110 = arith.addf %add3A_104, %get3A_109 : vector<16xf32>
    %get3A_111 = arith.constant 18 : i32
    %get3A_112 = arith.index_cast %get3A_111 : i32 to index
    %get3A_113 = arith.constant 0 : index
    %get3A_114 = tpu.vector_load %arg5[%get3A_112, %get3A_113] {strides = array<i32>} : memref<128x32xf32, #tpu.memory_space<vmem>>, vector<1x16xf32>,
    %get3A_115 = vector.shape_cast %get3A_114 : vector<1x16xf32> to vector<16xf32>
    %add3A_116 = arith.addf %add3A_110, %get3A_115 : vector<16xf32>
    %get3A_117 = arith.constant 19 : i32
    %get3A_118 = arith.index_cast %get3A_117 : i32 to index
    %get3A_119 = arith.constant 0 : index
    %get3A_120 = tpu.vector_load %arg5[%get3A_118, %get3A_119] {strides = array<i32>} : memref<128x32xf32, #tpu.memory_space<vmem>>, vector<1x16xf32>,
    %get3A_121 = vector.shape_cast %get3A_120 : vector<1x16xf32> to vector<16xf32>
    %add3A_122 = arith.addf %add3A_116, %get3A_121 : vector<16xf32>
    %get3A_123 = arith.constant 20 : i32
    %get3A_124 = arith.index_cast %get3A_123 : i32 to index
    %get3A_125 = arith.constant 0 : index
    %get3A_126 = tpu.vector_load %arg5[%get3A_124, %get3A_125] {strides = array<i32>} : memref<128x32xf32, #tpu.memory_space<vmem>>, vector<1x16xf32>,
    %get3A_127 = vector.shape_cast %get3A_126 : vector<1x16xf32> to vector<16xf32>
    %add3A_128 = arith.addf %add3A_122, %get3A_127 : vector<16xf32>
    %get3A_129 = arith.constant 21 : i32
    %get3A_130 = arith.index_cast %get3A_129 : i32 to index
    %get3A_131 = arith.constant 0 : index
    %get3A_132 = tpu.vector_load %arg5[%get3A_130, %get3A_131] {strides = array<i32>} : memref<128x32xf32, #tpu.memory_space<vmem>>, vector<1x16xf32>,
    %get3A_133 = vector.shape_cast %get3A_132 : vector<1x16xf32> to vector<16xf32>
    %add3A_134 = arith.addf %add3A_128, %get3A_133 : vector<16xf32>
    %get3A_135 = arith.constant 22 : i32
    %get3A_136 = arith.index_cast %get3A_135 : i32 to index
    %get3A_137 = arith.constant 0 : index
    %get3A_138 = tpu.vector_load %arg5[%get3A_136, %get3A_137] {strides = array<i32>} : memref<128x32xf32, #tpu.memory_space<vmem>>, vector<1x16xf32>,
    %get3A_139 = vector.shape_cast %get3A_138 : vector<1x16xf32> to vector<16xf32>
    %add3A_140 = arith.addf %add3A_134, %get3A_139 : vector<16xf32>
    %get3A_141 = arith.constant 23 : i32
    %get3A_142 = arith.index_cast %get3A_141 : i32 to index
    %get3A_143 = arith.constant 0 : index
    %get3A_144 = tpu.vector_load %arg5[%get3A_142, %get3A_143] {strides = array<i32>} : memref<128x32xf32, #tpu.memory_space<vmem>>, vector<1x16xf32>,
    %get3A_145 = vector.shape_cast %get3A_144 : vector<1x16xf32> to vector<16xf32>
    %add3A_146 = arith.addf %add3A_140, %get3A_145 : vector<16xf32>
    %get3A_147 = arith.constant 24 : i32
    %get3A_148 = arith.index_cast %get3A_147 : i32 to index
    %get3A_149 = arith.constant 0 : index
    %get3A_150 = tpu.vector_load %arg5[%get3A_148, %get3A_149] {strides = array<i32>} : memref<128x32xf32, #tpu.memory_space<vmem>>, vector<1x16xf32>,
    %get3A_151 = vector.shape_cast %get3A_150 : vector<1x16xf32> to vector<16xf32>
    %add3A_152 = arith.addf %add3A_146, %get3A_151 : vector<16xf32>
    %get3A_153 = arith.constant 25 : i32
    %get3A_154 = arith.index_cast %get3A_153 : i32 to index
    %get3A_155 = arith.constant 0 : index
    %get3A_156 = tpu.vector_load %arg5[%get3A_154, %get3A_155] {strides = array<i32>} : memref<128x32xf32, #tpu.memory_space<vmem>>, vector<1x16xf32>,
    %get3A_157 = vector.shape_cast %get3A_156 : vector<1x16xf32> to vector<16xf32>
    %add3A_158 = arith.addf %add3A_152, %get3A_157 : vector<16xf32>
    %get3A_159 = arith.constant 26 : i32
    %get3A_160 = arith.index_cast %get3A_159 : i32 to index
    %get3A_161 = arith.constant 0 : index
    %get3A_162 = tpu.vector_load %arg5[%get3A_160, %get3A_161] {strides = array<i32>} : memref<128x32xf32, #tpu.memory_space<vmem>>, vector<1x16xf32>,
    %get3A_163 = vector.shape_cast %get3A_162 : vector<1x16xf32> to vector<16xf32>
    %add3A_164 = arith.addf %add3A_158, %get3A_163 : vector<16xf32>
    %get3A_165 = arith.constant 27 : i32
    %get3A_166 = arith.index_cast %get3A_165 : i32 to index
    %get3A_167 = arith.constant 0 : index
    %get3A_168 = tpu.vector_load %arg5[%get3A_166, %get3A_167] {strides = array<i32>} : memref<128x32xf32, #tpu.memory_space<vmem>>, vector<1x16xf32>,
    %get3A_169 = vector.shape_cast %get3A_168 : vector<1x16xf32> to vector<16xf32>
    %add3A_170 = arith.addf %add3A_164, %get3A_169 : vector<16xf32>
    %get3A_171 = arith.constant 28 : i32
    %get3A_172 = arith.index_cast %get3A_171 : i32 to index
    %get3A_173 = arith.constant 0 : index
    %get3A_174 = tpu.vector_load %arg5[%get3A_172, %get3A_173] {strides = array<i32>} : memref<128x32xf32, #tpu.memory_space<vmem>>, vector<1x16xf32>,
    %get3A_175 = vector.shape_cast %get3A_174 : vector<1x16xf32> to vector<16xf32>
    %add3A_176 = arith.addf %add3A_170, %get3A_175 : vector<16xf32>
    %get3A_177 = arith.constant 29 : i32
    %get3A_178 = arith.index_cast %get3A_177 : i32 to index
    %get3A_179 = arith.constant 0 : index
    %get3A_180 = tpu.vector_load %arg5[%get3A_178, %get3A_179] {strides = array<i32>} : memref<128x32xf32, #tpu.memory_space<vmem>>, vector<1x16xf32>,
    %get3A_181 = vector.shape_cast %get3A_180 : vector<1x16xf32> to vector<16xf32>
    %add3A_182 = arith.addf %add3A_176, %get3A_181 : vector<16xf32>
    %get3A_183 = arith.constant 30 : i32
    %get3A_184 = arith.index_cast %get3A_183 : i32 to index
    %get3A_185 = arith.constant 0 : index
    %get3A_186 = tpu.vector_load %arg5[%get3A_184, %get3A_185] {strides = array<i32>} : memref<128x32xf32, #tpu.memory_space<vmem>>, vector<1x16xf32>,
    %get3A_187 = vector.shape_cast %get3A_186 : vector<1x16xf32> to vector<16xf32>
    %add3A_188 = arith.addf %add3A_182, %get3A_187 : vector<16xf32>
    %get3A_189 = arith.constant 31 : i32
    %get3A_190 = arith.index_cast %get3A_189 : i32 to index
    %get3A_191 = arith.constant 0 : index
    %get3A_192 = tpu.vector_load %arg5[%get3A_190, %get3A_191] {strides = array<i32>} : memref<128x32xf32, #tpu.memory_space<vmem>>, vector<1x16xf32>,
    %get3A_193 = vector.shape_cast %get3A_192 : vector<1x16xf32> to vector<16xf32>
    %add3A_194 = arith.addf %add3A_188, %get3A_193 : vector<16xf32>
    %get3A_195 = arith.constant 32 : i32
    %get3A_196 = arith.index_cast %get3A_195 : i32 to index
    %get3A_197 = arith.constant 0 : index
    %get3A_198 = tpu.vector_load %arg5[%get3A_196, %get3A_197] {strides = array<i32>} : memref<128x32xf32, #tpu.memory_space<vmem>>, vector<1x16xf32>,
    %get3A_199 = vector.shape_cast %get3A_198 : vector<1x16xf32> to vector<16xf32>
    %add3A_200 = arith.addf %add3A_194, %get3A_199 : vector<16xf32>
    %get3A_201 = arith.constant 33 : i32
    %get3A_202 = arith.index_cast %get3A_201 : i32 to index
    %get3A_203 = arith.constant 0 : index
    %get3A_204 = tpu.vector_load %arg5[%get3A_202, %get3A_203] {strides = array<i32>} : memref<128x32xf32, #tpu.memory_space<vmem>>, vector<1x16xf32>,
    %get3A_205 = vector.shape_cast %get3A_204 : vector<1x16xf32> to vector<16xf32>
    %add3A_206 = arith.addf %add3A_200, %get3A_205 : vector<16xf32>
    %get3A_207 = arith.constant 34 : i32
    %get3A_208 = arith.index_cast %get3A_207 : i32 to index
    %get3A_209 = arith.constant 0 : index
    %get3A_210 = tpu.vector_load %arg5[%get3A_208, %get3A_209] {strides = array<i32>} : memref<128x32xf32, #tpu.memory_space<vmem>>, vector<1x16xf32>,
    %get3A_211 = vector.shape_cast %get3A_210 : vector<1x16xf32> to vector<16xf32>
    %add3A_212 = arith.addf %add3A_206, %get3A_211 : vector<16xf32>
    %get3A_213 = arith.constant 35 : i32
    %get3A_214 = arith.index_cast %get3A_213 : i32 to index
    %get3A_215 = arith.constant 0 : index
    %get3A_216 = tpu.vector_load %arg5[%get3A_214, %get3A_215] {strides = array<i32>} : memref<128x32xf32, #tpu.memory_space<vmem>>, vector<1x16xf32>,
    %get3A_217 = vector.shape_cast %get3A_216 : vector<1x16xf32> to vector<16xf32>
    %add3A_218 = arith.addf %add3A_212, %get3A_217 : vector<16xf32>
    %get3A_219 = arith.constant 36 : i32
    %get3A_220 = arith.index_cast %get3A_219 : i32 to index
    %get3A_221 = arith.constant 0 : index
    %get3A_222 = tpu.vector_load %arg5[%get3A_220, %get3A_221] {strides = array<i32>} : memref<128x32xf32, #tpu.memory_space<vmem>>, vector<1x16xf32>,
    %get3A_223 = vector.shape_cast %get3A_222 : vector<1x16xf32> to vector<16xf32>
    %add3A_224 = arith.addf %add3A_218, %get3A_223 : vector<16xf32>
    %get3A_225 = arith.constant 37 : i32
    %get3A_226 = arith.index_cast %get3A_225 : i32 to index
    %get3A_227 = arith.constant 0 : index
    %get3A_228 = tpu.vector_load %arg5[%get3A_226, %get3A_227] {strides = array<i32>} : memref<128x32xf32, #tpu.memory_space<vmem>>, vector<1x16xf32>,
    %get3A_229 = vector.shape_cast %get3A_228 : vector<1x16xf32> to vector<16xf32>
    %add3A_230 = arith.addf %add3A_224, %get3A_229 : vector<16xf32>
    %get3A_231 = arith.constant 38 : i32
    %get3A_232 = arith.index_cast %get3A_231 : i32 to index
    %get3A_233 = arith.constant 0 : index
    %get3A_234 = tpu.vector_load %arg5[%get3A_232, %get3A_233] {strides = array<i32>} : memref<128x32xf32, #tpu.memory_space<vmem>>, vector<1x16xf32>,
    %get3A_235 = vector.shape_cast %get3A_234 : vector<1x16xf32> to vector<16xf32>
    %add3A_236 = arith.addf %add3A_230, %get3A_235 : vector<16xf32>
    %get3A_237 = arith.constant 39 : i32
    %get3A_238 = arith.index_cast %get3A_237 : i32 to index
    %get3A_239 = arith.constant 0 : index
    %get3A_240 = tpu.vector_load %arg5[%get3A_238, %get3A_239] {strides = array<i32>} : memref<128x32xf32, #tpu.memory_space<vmem>>, vector<1x16xf32>,
    %get3A_241 = vector.shape_cast %get3A_240 : vector<1x16xf32> to vector<16xf32>
    %add3A_242 = arith.addf %add3A_236, %get3A_241 : vector<16xf32>
    %get3A_243 = arith.constant 40 : i32
    %get3A_244 = arith.index_cast %get3A_243 : i32 to index
    %get3A_245 = arith.constant 0 : index
    %get3A_246 = tpu.vector_load %arg5[%get3A_244, %get3A_245] {strides = array<i32>} : memref<128x32xf32, #tpu.memory_space<vmem>>, vector<1x16xf32>,
    %get3A_247 = vector.shape_cast %get3A_246 : vector<1x16xf32> to vector<16xf32>
    %add3A_248 = arith.addf %add3A_242, %get3A_247 : vector<16xf32>
    %get3A_249 = arith.constant 41 : i32
    %get3A_250 = arith.index_cast %get3A_249 : i32 to index
    %get3A_251 = arith.constant 0 : index
    %get3A_252 = tpu.vector_load %arg5[%get3A_250, %get3A_251] {strides = array<i32>} : memref<128x32xf32, #tpu.memory_space<vmem>>, vector<1x16xf32>,
    %get3A_253 = vector.shape_cast %get3A_252 : vector<1x16xf32> to vector<16xf32>
    %add3A_254 = arith.addf %add3A_248, %get3A_253 : vector<16xf32>
    %get3A_255 = arith.constant 42 : i32
    %get3A_256 = arith.index_cast %get3A_255 : i32 to index
    %get3A_257 = arith.constant 0 : index
    %get3A_258 = tpu.vector_load %arg5[%get3A_256, %get3A_257] {strides = array<i32>} : memref<128x32xf32, #tpu.memory_space<vmem>>, vector<1x16xf32>,
    %get3A_259 = vector.shape_cast %get3A_258 : vector<1x16xf32> to vector<16xf32>
    %add3A_260 = arith.addf %add3A_254, %get3A_259 : vector<16xf32>
    %get3A_261 = arith.constant 43 : i32
    %get3A_262 = arith.index_cast %get3A_261 : i32 to index
    %get3A_263 = arith.constant 0 : index
    %get3A_264 = tpu.vector_load %arg5[%get3A_262, %get3A_263] {strides = array<i32>} : memref<128x32xf32, #tpu.memory_space<vmem>>, vector<1x16xf32>,
    %get3A_265 = vector.shape_cast %get3A_264 : vector<1x16xf32> to vector<16xf32>
    %add3A_266 = arith.addf %add3A_260, %get3A_265 : vector<16xf32>
    %get3A_267 = arith.constant 44 : i32
    %get3A_268 = arith.index_cast %get3A_267 : i32 to index
    %get3A_269 = arith.constant 0 : index
    %get3A_270 = tpu.vector_load %arg5[%get3A_268, %get3A_269] {strides = array<i32>} : memref<128x32xf32, #tpu.memory_space<vmem>>, vector<1x16xf32>,
    %get3A_271 = vector.shape_cast %get3A_270 : vector<1x16xf32> to vector<16xf32>
    %add3A_272 = arith.addf %add3A_266, %get3A_271 : vector<16xf32>
    %get3A_273 = arith.constant 45 : i32
    %get3A_274 = arith.index_cast %get3A_273 : i32 to index
    %get3A_275 = arith.constant 0 : index
    %get3A_276 = tpu.vector_load %arg5[%get3A_274, %get3A_275] {strides = array<i32>} : memref<128x32xf32, #tpu.memory_space<vmem>>, vector<1x16xf32>,
    %get3A_277 = vector.shape_cast %get3A_276 : vector<1x16xf32> to vector<16xf32>
    %add3A_278 = arith.addf %add3A_272, %get3A_277 : vector<16xf32>
    %get3A_279 = arith.constant 46 : i32
    %get3A_280 = arith.index_cast %get3A_279 : i32 to index
    %get3A_281 = arith.constant 0 : index
    %get3A_282 = tpu.vector_load %arg5[%get3A_280, %get3A_281] {strides = array<i32>} : memref<128x32xf32, #tpu.memory_space<vmem>>, vector<1x16xf32>,
    %get3A_283 = vector.shape_cast %get3A_282 : vector<1x16xf32> to vector<16xf32>
    %add3A_284 = arith.addf %add3A_278, %get3A_283 : vector<16xf32>
    %get3A_285 = arith.constant 47 : i32
    %get3A_286 = arith.index_cast %get3A_285 : i32 to index
    %get3A_287 = arith.constant 0 : index
    %get3A_288 = tpu.vector_load %arg5[%get3A_286, %get3A_287] {strides = array<i32>} : memref<128x32xf32, #tpu.memory_space<vmem>>, vector<1x16xf32>,
    %get3A_289 = vector.shape_cast %get3A_288 : vector<1x16xf32> to vector<16xf32>
    %add3A_290 = arith.addf %add3A_284, %get3A_289 : vector<16xf32>
    %get3A_291 = arith.constant 48 : i32
    %get3A_292 = arith.index_cast %get3A_291 : i32 to index
    %get3A_293 = arith.constant 0 : index
    %get3A_294 = tpu.vector_load %arg5[%get3A_292, %get3A_293] {strides = array<i32>} : memref<128x32xf32, #tpu.memory_space<vmem>>, vector<1x16xf32>,
    %get3A_295 = vector.shape_cast %get3A_294 : vector<1x16xf32> to vector<16xf32>
    %add3A_296 = arith.addf %add3A_290, %get3A_295 : vector<16xf32>
    %get3A_297 = arith.constant 49 : i32
    %get3A_298 = arith.index_cast %get3A_297 : i32 to index
    %get3A_299 = arith.constant 0 : index
    %get3A_300 = tpu.vector_load %arg5[%get3A_298, %get3A_299] {strides = array<i32>} : memref<128x32xf32, #tpu.memory_space<vmem>>, vector<1x16xf32>,
    %get3A_301 = vector.shape_cast %get3A_300 : vector<1x16xf32> to vector<16xf32>
    %add3A_302 = arith.addf %add3A_296, %get3A_301 : vector<16xf32>
    %get3A_303 = arith.constant 50 : i32
    %get3A_304 = arith.index_cast %get3A_303 : i32 to index
    %get3A_305 = arith.constant 0 : index
    %get3A_306 = tpu.vector_load %arg5[%get3A_304, %get3A_305] {strides = array<i32>} : memref<128x32xf32, #tpu.memory_space<vmem>>, vector<1x16xf32>,
    %get3A_307 = vector.shape_cast %get3A_306 : vector<1x16xf32> to vector<16xf32>
    %add3A_308 = arith.addf %add3A_302, %get3A_307 : vector<16xf32>
    %get3A_309 = arith.constant 51 : i32
    %get3A_310 = arith.index_cast %get3A_309 : i32 to index
    %get3A_311 = arith.constant 0 : index
    %get3A_312 = tpu.vector_load %arg5[%get3A_310, %get3A_311] {strides = array<i32>} : memref<128x32xf32, #tpu.memory_space<vmem>>, vector<1x16xf32>,
    %get3A_313 = vector.shape_cast %get3A_312 : vector<1x16xf32> to vector<16xf32>
    %add3A_314 = arith.addf %add3A_308, %get3A_313 : vector<16xf32>
    %get3A_315 = arith.constant 52 : i32
    %get3A_316 = arith.index_cast %get3A_315 : i32 to index
    %get3A_317 = arith.constant 0 : index
    %get3A_318 = tpu.vector_load %arg5[%get3A_316, %get3A_317] {strides = array<i32>} : memref<128x32xf32, #tpu.memory_space<vmem>>, vector<1x16xf32>,
    %get3A_319 = vector.shape_cast %get3A_318 : vector<1x16xf32> to vector<16xf32>
    %add3A_320 = arith.addf %add3A_314, %get3A_319 : vector<16xf32>
    %get3A_321 = arith.constant 53 : i32
    %get3A_322 = arith.index_cast %get3A_321 : i32 to index
    %get3A_323 = arith.constant 0 : index
    %get3A_324 = tpu.vector_load %arg5[%get3A_322, %get3A_323] {strides = array<i32>} : memref<128x32xf32, #tpu.memory_space<vmem>>, vector<1x16xf32>,
    %get3A_325 = vector.shape_cast %get3A_324 : vector<1x16xf32> to vector<16xf32>
    %add3A_326 = arith.addf %add3A_320, %get3A_325 : vector<16xf32>
    %get3A_327 = arith.constant 54 : i32
    %get3A_328 = arith.index_cast %get3A_327 : i32 to index
    %get3A_329 = arith.constant 0 : index
    %get3A_330 = tpu.vector_load %arg5[%get3A_328, %get3A_329] {strides = array<i32>} : memref<128x32xf32, #tpu.memory_space<vmem>>, vector<1x16xf32>,
    %get3A_331 = vector.shape_cast %get3A_330 : vector<1x16xf32> to vector<16xf32>
    %add3A_332 = arith.addf %add3A_326, %get3A_331 : vector<16xf32>
    %get3A_333 = arith.constant 55 : i32
    %get3A_334 = arith.index_cast %get3A_333 : i32 to index
    %get3A_335 = arith.constant 0 : index
    %get3A_336 = tpu.vector_load %arg5[%get3A_334, %get3A_335] {strides = array<i32>} : memref<128x32xf32, #tpu.memory_space<vmem>>, vector<1x16xf32>,
    %get3A_337 = vector.shape_cast %get3A_336 : vector<1x16xf32> to vector<16xf32>
    %add3A_338 = arith.addf %add3A_332, %get3A_337 : vector<16xf32>
    %get3A_339 = arith.constant 56 : i32
    %get3A_340 = arith.index_cast %get3A_339 : i32 to index
    %get3A_341 = arith.constant 0 : index
    %get3A_342 = tpu.vector_load %arg5[%get3A_340, %get3A_341] {strides = array<i32>} : memref<128x32xf32, #tpu.memory_space<vmem>>, vector<1x16xf32>,
    %get3A_343 = vector.shape_cast %get3A_342 : vector<1x16xf32> to vector<16xf32>
    %add3A_344 = arith.addf %add3A_338, %get3A_343 : vector<16xf32>
    %get3A_345 = arith.constant 57 : i32
    %get3A_346 = arith.index_cast %get3A_345 : i32 to index
    %get3A_347 = arith.constant 0 : index
    %get3A_348 = tpu.vector_load %arg5[%get3A_346, %get3A_347] {strides = array<i32>} : memref<128x32xf32, #tpu.memory_space<vmem>>, vector<1x16xf32>,
    %get3A_349 = vector.shape_cast %get3A_348 : vector<1x16xf32> to vector<16xf32>
    %add3A_350 = arith.addf %add3A_344, %get3A_349 : vector<16xf32>
    %get3A_351 = arith.constant 58 : i32
    %get3A_352 = arith.index_cast %get3A_351 : i32 to index
    %get3A_353 = arith.constant 0 : index
    %get3A_354 = tpu.vector_load %arg5[%get3A_352, %get3A_353] {strides = array<i32>} : memref<128x32xf32, #tpu.memory_space<vmem>>, vector<1x16xf32>,
    %get3A_355 = vector.shape_cast %get3A_354 : vector<1x16xf32> to vector<16xf32>
    %add3A_356 = arith.addf %add3A_350, %get3A_355 : vector<16xf32>
    %get3A_357 = arith.constant 59 : i32
    %get3A_358 = arith.index_cast %get3A_357 : i32 to index
    %get3A_359 = arith.constant 0 : index
    %get3A_360 = tpu.vector_load %arg5[%get3A_358, %get3A_359] {strides = array<i32>} : memref<128x32xf32, #tpu.memory_space<vmem>>, vector<1x16xf32>,
    %get3A_361 = vector.shape_cast %get3A_360 : vector<1x16xf32> to vector<16xf32>
    %add3A_362 = arith.addf %add3A_356, %get3A_361 : vector<16xf32>
    %get3A_363 = arith.constant 60 : i32
    %get3A_364 = arith.index_cast %get3A_363 : i32 to index
    %get3A_365 = arith.constant 0 : index
    %get3A_366 = tpu.vector_load %arg5[%get3A_364, %get3A_365] {strides = array<i32>} : memref<128x32xf32, #tpu.memory_space<vmem>>, vector<1x16xf32>,
    %get3A_367 = vector.shape_cast %get3A_366 : vector<1x16xf32> to vector<16xf32>
    %add3A_368 = arith.addf %add3A_362, %get3A_367 : vector<16xf32>
    %get3A_369 = arith.constant 61 : i32
    %get3A_370 = arith.index_cast %get3A_369 : i32 to index
    %get3A_371 = arith.constant 0 : index
    %get3A_372 = tpu.vector_load %arg5[%get3A_370, %get3A_371] {strides = array<i32>} : memref<128x32xf32, #tpu.memory_space<vmem>>, vector<1x16xf32>,
    %get3A_373 = vector.shape_cast %get3A_372 : vector<1x16xf32> to vector<16xf32>
    %add3A_374 = arith.addf %add3A_368, %get3A_373 : vector<16xf32>
    %get3A_375 = arith.constant 62 : i32
    %get3A_376 = arith.index_cast %get3A_375 : i32 to index
    %get3A_377 = arith.constant 0 : index
    %get3A_378 = tpu.vector_load %arg5[%get3A_376, %get3A_377] {strides = array<i32>} : memref<128x32xf32, #tpu.memory_space<vmem>>, vector<1x16xf32>,
    %get3A_379 = vector.shape_cast %get3A_378 : vector<1x16xf32> to vector<16xf32>
    %add3A_380 = arith.addf %add3A_374, %get3A_379 : vector<16xf32>
    %get3A_381 = arith.constant 63 : i32
    %get3A_382 = arith.index_cast %get3A_381 : i32 to index
    %get3A_383 = arith.constant 0 : index
    %get3A_384 = tpu.vector_load %arg5[%get3A_382, %get3A_383] {strides = array<i32>} : memref<128x32xf32, #tpu.memory_space<vmem>>, vector<1x16xf32>,
    %get3A_385 = vector.shape_cast %get3A_384 : vector<1x16xf32> to vector<16xf32>
    %add3A_386 = arith.addf %add3A_380, %get3A_385 : vector<16xf32>
    %get3A_387 = arith.constant 64 : i32
    %get3A_388 = arith.index_cast %get3A_387 : i32 to index
    %get3A_389 = arith.constant 0 : index
    %get3A_390 = tpu.vector_load %arg5[%get3A_388, %get3A_389] {strides = array<i32>} : memref<128x32xf32, #tpu.memory_space<vmem>>, vector<1x16xf32>,
    %get3A_391 = vector.shape_cast %get3A_390 : vector<1x16xf32> to vector<16xf32>
    %add3A_392 = arith.addf %add3A_386, %get3A_391 : vector<16xf32>
    %get3A_393 = arith.constant 65 : i32
    %get3A_394 = arith.index_cast %get3A_393 : i32 to index
    %get3A_395 = arith.constant 0 : index
    %get3A_396 = tpu.vector_load %arg5[%get3A_394, %get3A_395] {strides = array<i32>} : memref<128x32xf32, #tpu.memory_space<vmem>>, vector<1x16xf32>,
    %get3A_397 = vector.shape_cast %get3A_396 : vector<1x16xf32> to vector<16xf32>
    %add3A_398 = arith.addf %add3A_392, %get3A_397 : vector<16xf32>
    %get3A_399 = arith.constant 66 : i32
    %get3A_400 = arith.index_cast %get3A_399 : i32 to index
    %get3A_401 = arith.constant 0 : index
    %get3A_402 = tpu.vector_load %arg5[%get3A_400, %get3A_401] {strides = array<i32>} : memref<128x32xf32, #tpu.memory_space<vmem>>, vector<1x16xf32>,
    %get3A_403 = vector.shape_cast %get3A_402 : vector<1x16xf32> to vector<16xf32>
    %add3A_404 = arith.addf %add3A_398, %get3A_403 : vector<16xf32>
    %get3A_405 = arith.constant 67 : i32
    %get3A_406 = arith.index_cast %get3A_405 : i32 to index
    %get3A_407 = arith.constant 0 : index
    %get3A_408 = tpu.vector_load %arg5[%get3A_406, %get3A_407] {strides = array<i32>} : memref<128x32xf32, #tpu.memory_space<vmem>>, vector<1x16xf32>,
    %get3A_409 = vector.shape_cast %get3A_408 : vector<1x16xf32> to vector<16xf32>
    %add3A_410 = arith.addf %add3A_404, %get3A_409 : vector<16xf32>
    %get3A_411 = arith.constant 68 : i32
    %get3A_412 = arith.index_cast %get3A_411 : i32 to index
    %get3A_413 = arith.constant 0 : index
    %get3A_414 = tpu.vector_load %arg5[%get3A_412, %get3A_413] {strides = array<i32>} : memref<128x32xf32, #tpu.memory_space<vmem>>, vector<1x16xf32>,
    %get3A_415 = vector.shape_cast %get3A_414 : vector<1x16xf32> to vector<16xf32>
    %add3A_416 = arith.addf %add3A_410, %get3A_415 : vector<16xf32>
    %get3A_417 = arith.constant 69 : i32
    %get3A_418 = arith.index_cast %get3A_417 : i32 to index
    %get3A_419 = arith.constant 0 : index
    %get3A_420 = tpu.vector_load %arg5[%get3A_418, %get3A_419] {strides = array<i32>} : memref<128x32xf32, #tpu.memory_space<vmem>>, vector<1x16xf32>,
    %get3A_421 = vector.shape_cast %get3A_420 : vector<1x16xf32> to vector<16xf32>
    %add3A_422 = arith.addf %add3A_416, %get3A_421 : vector<16xf32>
    %get3A_423 = arith.constant 70 : i32
    %get3A_424 = arith.index_cast %get3A_423 : i32 to index
    %get3A_425 = arith.constant 0 : index
    %get3A_426 = tpu.vector_load %arg5[%get3A_424, %get3A_425] {strides = array<i32>} : memref<128x32xf32, #tpu.memory_space<vmem>>, vector<1x16xf32>,
    %get3A_427 = vector.shape_cast %get3A_426 : vector<1x16xf32> to vector<16xf32>
    %add3A_428 = arith.addf %add3A_422, %get3A_427 : vector<16xf32>
    %get3A_429 = arith.constant 71 : i32
    %get3A_430 = arith.index_cast %get3A_429 : i32 to index
    %get3A_431 = arith.constant 0 : index
    %get3A_432 = tpu.vector_load %arg5[%get3A_430, %get3A_431] {strides = array<i32>} : memref<128x32xf32, #tpu.memory_space<vmem>>, vector<1x16xf32>,
    %get3A_433 = vector.shape_cast %get3A_432 : vector<1x16xf32> to vector<16xf32>
    %add3A_434 = arith.addf %add3A_428, %get3A_433 : vector<16xf32>
    %get3A_435 = arith.constant 72 : i32
    %get3A_436 = arith.index_cast %get3A_435 : i32 to index
    %get3A_437 = arith.constant 0 : index
    %get3A_438 = tpu.vector_load %arg5[%get3A_436, %get3A_437] {strides = array<i32>} : memref<128x32xf32, #tpu.memory_space<vmem>>, vector<1x16xf32>,
    %get3A_439 = vector.shape_cast %get3A_438 : vector<1x16xf32> to vector<16xf32>
    %add3A_440 = arith.addf %add3A_434, %get3A_439 : vector<16xf32>
    %get3A_441 = arith.constant 73 : i32
    %get3A_442 = arith.index_cast %get3A_441 : i32 to index
    %get3A_443 = arith.constant 0 : index
    %get3A_444 = tpu.vector_load %arg5[%get3A_442, %get3A_443] {strides = array<i32>} : memref<128x32xf32, #tpu.memory_space<vmem>>, vector<1x16xf32>,
    %get3A_445 = vector.shape_cast %get3A_444 : vector<1x16xf32> to vector<16xf32>
    %add3A_446 = arith.addf %add3A_440, %get3A_445 : vector<16xf32>
    %get3A_447 = arith.constant 74 : i32
    %get3A_448 = arith.index_cast %get3A_447 : i32 to index
    %get3A_449 = arith.constant 0 : index
    %get3A_450 = tpu.vector_load %arg5[%get3A_448, %get3A_449] {strides = array<i32>} : memref<128x32xf32, #tpu.memory_space<vmem>>, vector<1x16xf32>,
    %get3A_451 = vector.shape_cast %get3A_450 : vector<1x16xf32> to vector<16xf32>
    %add3A_452 = arith.addf %add3A_446, %get3A_451 : vector<16xf32>
    %get3A_453 = arith.constant 75 : i32
    %get3A_454 = arith.index_cast %get3A_453 : i32 to index
    %get3A_455 = arith.constant 0 : index
    %get3A_456 = tpu.vector_load %arg5[%get3A_454, %get3A_455] {strides = array<i32>} : memref<128x32xf32, #tpu.memory_space<vmem>>, vector<1x16xf32>,
    %get3A_457 = vector.shape_cast %get3A_456 : vector<1x16xf32> to vector<16xf32>
    %add3A_458 = arith.addf %add3A_452, %get3A_457 : vector<16xf32>
    %get3A_459 = arith.constant 76 : i32
    %get3A_460 = arith.index_cast %get3A_459 : i32 to index
    %get3A_461 = arith.constant 0 : index
    %get3A_462 = tpu.vector_load %arg5[%get3A_460, %get3A_461] {strides = array<i32>} : memref<128x32xf32, #tpu.memory_space<vmem>>, vector<1x16xf32>,
    %get3A_463 = vector.shape_cast %get3A_462 : vector<1x16xf32> to vector<16xf32>
    %add3A_464 = arith.addf %add3A_458, %get3A_463 : vector<16xf32>
    %get3A_465 = arith.constant 77 : i32
    %get3A_466 = arith.index_cast %get3A_465 : i32 to index
    %get3A_467 = arith.constant 0 : index
    %get3A_468 = tpu.vector_load %arg5[%get3A_466, %get3A_467] {strides = array<i32>} : memref<128x32xf32, #tpu.memory_space<vmem>>, vector<1x16xf32>,
    %get3A_469 = vector.shape_cast %get3A_468 : vector<1x16xf32> to vector<16xf32>
    %add3A_470 = arith.addf %add3A_464, %get3A_469 : vector<16xf32>
    %get3A_471 = arith.constant 78 : i32
    %get3A_472 = arith.index_cast %get3A_471 : i32 to index
    %get3A_473 = arith.constant 0 : index
    %get3A_474 = tpu.vector_load %arg5[%get3A_472, %get3A_473] {strides = array<i32>} : memref<128x32xf32, #tpu.memory_space<vmem>>, vector<1x16xf32>,
    %get3A_475 = vector.shape_cast %get3A_474 : vector<1x16xf32> to vector<16xf32>
    %add3A_476 = arith.addf %add3A_470, %get3A_475 : vector<16xf32>
    %get3A_477 = arith.constant 79 : i32
    %get3A_478 = arith.index_cast %get3A_477 : i32 to index
    %get3A_479 = arith.constant 0 : index
    %get3A_480 = tpu.vector_load %arg5[%get3A_478, %get3A_479] {strides = array<i32>} : memref<128x32xf32, #tpu.memory_space<vmem>>, vector<1x16xf32>,
    %get3A_481 = vector.shape_cast %get3A_480 : vector<1x16xf32> to vector<16xf32>
    %add3A_482 = arith.addf %add3A_476, %get3A_481 : vector<16xf32>
    %get3A_483 = arith.constant 80 : i32
    %get3A_484 = arith.index_cast %get3A_483 : i32 to index
    %get3A_485 = arith.constant 0 : index
    %get3A_486 = tpu.vector_load %arg5[%get3A_484, %get3A_485] {strides = array<i32>} : memref<128x32xf32, #tpu.memory_space<vmem>>, vector<1x16xf32>,
    %get3A_487 = vector.shape_cast %get3A_486 : vector<1x16xf32> to vector<16xf32>
    %add3A_488 = arith.addf %add3A_482, %get3A_487 : vector<16xf32>
    %get3A_489 = arith.constant 81 : i32
    %get3A_490 = arith.index_cast %get3A_489 : i32 to index
    %get3A_491 = arith.constant 0 : index
    %get3A_492 = tpu.vector_load %arg5[%get3A_490, %get3A_491] {strides = array<i32>} : memref<128x32xf32, #tpu.memory_space<vmem>>, vector<1x16xf32>,
    %get3A_493 = vector.shape_cast %get3A_492 : vector<1x16xf32> to vector<16xf32>
    %add3A_494 = arith.addf %add3A_488, %get3A_493 : vector<16xf32>
    %get3A_495 = arith.constant 82 : i32
    %get3A_496 = arith.index_cast %get3A_495 : i32 to index
    %get3A_497 = arith.constant 0 : index
    %get3A_498 = tpu.vector_load %arg5[%get3A_496, %get3A_497] {strides = array<i32>} : memref<128x32xf32, #tpu.memory_space<vmem>>, vector<1x16xf32>,
    %get3A_499 = vector.shape_cast %get3A_498 : vector<1x16xf32> to vector<16xf32>
    %add3A_500 = arith.addf %add3A_494, %get3A_499 : vector<16xf32>
    %get3A_501 = arith.constant 83 : i32
    %get3A_502 = arith.index_cast %get3A_501 : i32 to index
    %get3A_503 = arith.constant 0 : index
    %get3A_504 = tpu.vector_load %arg5[%get3A_502, %get3A_503] {strides = array<i32>} : memref<128x32xf32, #tpu.memory_space<vmem>>, vector<1x16xf32>,
    %get3A_505 = vector.shape_cast %get3A_504 : vector<1x16xf32> to vector<16xf32>
    %add3A_506 = arith.addf %add3A_500, %get3A_505 : vector<16xf32>
    %get3A_507 = arith.constant 84 : i32
    %get3A_508 = arith.index_cast %get3A_507 : i32 to index
    %get3A_509 = arith.constant 0 : index
    %get3A_510 = tpu.vector_load %arg5[%get3A_508, %get3A_509] {strides = array<i32>} : memref<128x32xf32, #tpu.memory_space<vmem>>, vector<1x16xf32>,
    %get3A_511 = vector.shape_cast %get3A_510 : vector<1x16xf32> to vector<16xf32>
    %add3A_512 = arith.addf %add3A_506, %get3A_511 : vector<16xf32>
    %get3A_513 = arith.constant 85 : i32
    %get3A_514 = arith.index_cast %get3A_513 : i32 to index
    %get3A_515 = arith.constant 0 : index
    %get3A_516 = tpu.vector_load %arg5[%get3A_514, %get3A_515] {strides = array<i32>} : memref<128x32xf32, #tpu.memory_space<vmem>>, vector<1x16xf32>,
    %get3A_517 = vector.shape_cast %get3A_516 : vector<1x16xf32> to vector<16xf32>
    %add3A_518 = arith.addf %add3A_512, %get3A_517 : vector<16xf32>
    %get3A_519 = arith.constant 86 : i32
    %get3A_520 = arith.index_cast %get3A_519 : i32 to index
    %get3A_521 = arith.constant 0 : index
    %get3A_522 = tpu.vector_load %arg5[%get3A_520, %get3A_521] {strides = array<i32>} : memref<128x32xf32, #tpu.memory_space<vmem>>, vector<1x16xf32>,
    %get3A_523 = vector.shape_cast %get3A_522 : vector<1x16xf32> to vector<16xf32>
    %add3A_524 = arith.addf %add3A_518, %get3A_523 : vector<16xf32>
    %get3A_525 = arith.constant 87 : i32
    %get3A_526 = arith.index_cast %get3A_525 : i32 to index
    %get3A_527 = arith.constant 0 : index
    %get3A_528 = tpu.vector_load %arg5[%get3A_526, %get3A_527] {strides = array<i32>} : memref<128x32xf32, #tpu.memory_space<vmem>>, vector<1x16xf32>,
    %get3A_529 = vector.shape_cast %get3A_528 : vector<1x16xf32> to vector<16xf32>
    %add3A_530 = arith.addf %add3A_524, %get3A_529 : vector<16xf32>
    %get3A_531 = arith.constant 88 : i32
    %get3A_532 = arith.index_cast %get3A_531 : i32 to index
    %get3A_533 = arith.constant 0 : index
    %get3A_534 = tpu.vector_load %arg5[%get3A_532, %get3A_533] {strides = array<i32>} : memref<128x32xf32, #tpu.memory_space<vmem>>, vector<1x16xf32>,
    %get3A_535 = vector.shape_cast %get3A_534 : vector<1x16xf32> to vector<16xf32>
    %add3A_536 = arith.addf %add3A_530, %get3A_535 : vector<16xf32>
    %get3A_537 = arith.constant 89 : i32
    %get3A_538 = arith.index_cast %get3A_537 : i32 to index
    %get3A_539 = arith.constant 0 : index
    %get3A_540 = tpu.vector_load %arg5[%get3A_538, %get3A_539] {strides = array<i32>} : memref<128x32xf32, #tpu.memory_space<vmem>>, vector<1x16xf32>,
    %get3A_541 = vector.shape_cast %get3A_540 : vector<1x16xf32> to vector<16xf32>
    %add3A_542 = arith.addf %add3A_536, %get3A_541 : vector<16xf32>
    %get3A_543 = arith.constant 90 : i32
    %get3A_544 = arith.index_cast %get3A_543 : i32 to index
    %get3A_545 = arith.constant 0 : index
    %get3A_546 = tpu.vector_load %arg5[%get3A_544, %get3A_545] {strides = array<i32>} : memref<128x32xf32, #tpu.memory_space<vmem>>, vector<1x16xf32>,
    %get3A_547 = vector.shape_cast %get3A_546 : vector<1x16xf32> to vector<16xf32>
    %add3A_548 = arith.addf %add3A_542, %get3A_547 : vector<16xf32>
    %get3A_549 = arith.constant 91 : i32
    %get3A_550 = arith.index_cast %get3A_549 : i32 to index
    %get3A_551 = arith.constant 0 : index
    %get3A_552 = tpu.vector_load %arg5[%get3A_550, %get3A_551] {strides = array<i32>} : memref<128x32xf32, #tpu.memory_space<vmem>>, vector<1x16xf32>,
    %get3A_553 = vector.shape_cast %get3A_552 : vector<1x16xf32> to vector<16xf32>
    %add3A_554 = arith.addf %add3A_548, %get3A_553 : vector<16xf32>
    %get3A_555 = arith.constant 92 : i32
    %get3A_556 = arith.index_cast %get3A_555 : i32 to index
    %get3A_557 = arith.constant 0 : index
    %get3A_558 = tpu.vector_load %arg5[%get3A_556, %get3A_557] {strides = array<i32>} : memref<128x32xf32, #tpu.memory_space<vmem>>, vector<1x16xf32>,
    %get3A_559 = vector.shape_cast %get3A_558 : vector<1x16xf32> to vector<16xf32>
    %add3A_560 = arith.addf %add3A_554, %get3A_559 : vector<16xf32>
    %get3A_561 = arith.constant 93 : i32
    %get3A_562 = arith.index_cast %get3A_561 : i32 to index
    %get3A_563 = arith.constant 0 : index
    %get3A_564 = tpu.vector_load %arg5[%get3A_562, %get3A_563] {strides = array<i32>} : memref<128x32xf32, #tpu.memory_space<vmem>>, vector<1x16xf32>,
    %get3A_565 = vector.shape_cast %get3A_564 : vector<1x16xf32> to vector<16xf32>
    %add3A_566 = arith.addf %add3A_560, %get3A_565 : vector<16xf32>
    %get3A_567 = arith.constant 94 : i32
    %get3A_568 = arith.index_cast %get3A_567 : i32 to index
    %get3A_569 = arith.constant 0 : index
    %get3A_570 = tpu.vector_load %arg5[%get3A_568, %get3A_569] {strides = array<i32>} : memref<128x32xf32, #tpu.memory_space<vmem>>, vector<1x16xf32>,
    %get3A_571 = vector.shape_cast %get3A_570 : vector<1x16xf32> to vector<16xf32>
    %add3A_572 = arith.addf %add3A_566, %get3A_571 : vector<16xf32>
    %get3A_573 = arith.constant 95 : i32
    %get3A_574 = arith.index_cast %get3A_573 : i32 to index
    %get3A_575 = arith.constant 0 : index
    %get3A_576 = tpu.vector_load %arg5[%get3A_574, %get3A_575] {strides = array<i32>} : memref<128x32xf32, #tpu.memory_space<vmem>>, vector<1x16xf32>,
    %get3A_577 = vector.shape_cast %get3A_576 : vector<1x16xf32> to vector<16xf32>
    %add3A_578 = arith.addf %add3A_572, %get3A_577 : vector<16xf32>
    %get3A_579 = arith.constant 96 : i32
    %get3A_580 = arith.index_cast %get3A_579 : i32 to index
    %get3A_581 = arith.constant 0 : index
    %get3A_582 = tpu.vector_load %arg5[%get3A_580, %get3A_581] {strides = array<i32>} : memref<128x32xf32, #tpu.memory_space<vmem>>, vector<1x16xf32>,
    %get3A_583 = vector.shape_cast %get3A_582 : vector<1x16xf32> to vector<16xf32>
    %add3A_584 = arith.addf %add3A_578, %get3A_583 : vector<16xf32>
    %get3A_585 = arith.constant 97 : i32
    %get3A_586 = arith.index_cast %get3A_585 : i32 to index
    %get3A_587 = arith.constant 0 : index
    %get3A_588 = tpu.vector_load %arg5[%get3A_586, %get3A_587] {strides = array<i32>} : memref<128x32xf32, #tpu.memory_space<vmem>>, vector<1x16xf32>,
    %get3A_589 = vector.shape_cast %get3A_588 : vector<1x16xf32> to vector<16xf32>
    %add3A_590 = arith.addf %add3A_584, %get3A_589 : vector<16xf32>
    %get3A_591 = arith.constant 98 : i32
    %get3A_592 = arith.index_cast %get3A_591 : i32 to index
    %get3A_593 = arith.constant 0 : index
    %get3A_594 = tpu.vector_load %arg5[%get3A_592, %get3A_593] {strides = array<i32>} : memref<128x32xf32, #tpu.memory_space<vmem>>, vector<1x16xf32>,
    %get3A_595 = vector.shape_cast %get3A_594 : vector<1x16xf32> to vector<16xf32>
    %add3A_596 = arith.addf %add3A_590, %get3A_595 : vector<16xf32>
    %get3A_597 = arith.constant 99 : i32
    %get3A_598 = arith.index_cast %get3A_597 : i32 to index
    %get3A_599 = arith.constant 0 : index
    %get3A_600 = tpu.vector_load %arg5[%get3A_598, %get3A_599] {strides = array<i32>} : memref<128x32xf32, #tpu.memory_space<vmem>>, vector<1x16xf32>,
    %get3A_601 = vector.shape_cast %get3A_600 : vector<1x16xf32> to vector<16xf32>
    %add3A_602 = arith.addf %add3A_596, %get3A_601 : vector<16xf32>
    %get3A_603 = arith.constant 100 : i32
    %get3A_604 = arith.index_cast %get3A_603 : i32 to index
    %get3A_605 = arith.constant 0 : index
    %get3A_606 = tpu.vector_load %arg5[%get3A_604, %get3A_605] {strides = array<i32>} : memref<128x32xf32, #tpu.memory_space<vmem>>, vector<1x16xf32>,
    %get3A_607 = vector.shape_cast %get3A_606 : vector<1x16xf32> to vector<16xf32>
    %add3A_608 = arith.addf %add3A_602, %get3A_607 : vector<16xf32>
    %get3A_609 = arith.constant 101 : i32
    %get3A_610 = arith.index_cast %get3A_609 : i32 to index
    %get3A_611 = arith.constant 0 : index
    %get3A_612 = tpu.vector_load %arg5[%get3A_610, %get3A_611] {strides = array<i32>} : memref<128x32xf32, #tpu.memory_space<vmem>>, vector<1x16xf32>,
    %get3A_613 = vector.shape_cast %get3A_612 : vector<1x16xf32> to vector<16xf32>
    %add3A_614 = arith.addf %add3A_608, %get3A_613 : vector<16xf32>
    %get3A_615 = arith.constant 102 : i32
    %get3A_616 = arith.index_cast %get3A_615 : i32 to index
    %get3A_617 = arith.constant 0 : index
    %get3A_618 = tpu.vector_load %arg5[%get3A_616, %get3A_617] {strides = array<i32>} : memref<128x32xf32, #tpu.memory_space<vmem>>, vector<1x16xf32>,
    %get3A_619 = vector.shape_cast %get3A_618 : vector<1x16xf32> to vector<16xf32>
    %add3A_620 = arith.addf %add3A_614, %get3A_619 : vector<16xf32>
    %get3A_621 = arith.constant 103 : i32
    %get3A_622 = arith.index_cast %get3A_621 : i32 to index
    %get3A_623 = arith.constant 0 : index
    %get3A_624 = tpu.vector_load %arg5[%get3A_622, %get3A_623] {strides = array<i32>} : memref<128x32xf32, #tpu.memory_space<vmem>>, vector<1x16xf32>,
    %get3A_625 = vector.shape_cast %get3A_624 : vector<1x16xf32> to vector<16xf32>
    %add3A_626 = arith.addf %add3A_620, %get3A_625 : vector<16xf32>
    %get3A_627 = arith.constant 104 : i32
    %get3A_628 = arith.index_cast %get3A_627 : i32 to index
    %get3A_629 = arith.constant 0 : index
    %get3A_630 = tpu.vector_load %arg5[%get3A_628, %get3A_629] {strides = array<i32>} : memref<128x32xf32, #tpu.memory_space<vmem>>, vector<1x16xf32>,
    %get3A_631 = vector.shape_cast %get3A_630 : vector<1x16xf32> to vector<16xf32>
    %add3A_632 = arith.addf %add3A_626, %get3A_631 : vector<16xf32>
    %get3A_633 = arith.constant 105 : i32
    %get3A_634 = arith.index_cast %get3A_633 : i32 to index
    %get3A_635 = arith.constant 0 : index
    %get3A_636 = tpu.vector_load %arg5[%get3A_634, %get3A_635] {strides = array<i32>} : memref<128x32xf32, #tpu.memory_space<vmem>>, vector<1x16xf32>,
    %get3A_637 = vector.shape_cast %get3A_636 : vector<1x16xf32> to vector<16xf32>
    %add3A_638 = arith.addf %add3A_632, %get3A_637 : vector<16xf32>
    %get3A_639 = arith.constant 106 : i32
    %get3A_640 = arith.index_cast %get3A_639 : i32 to index
    %get3A_641 = arith.constant 0 : index
    %get3A_642 = tpu.vector_load %arg5[%get3A_640, %get3A_641] {strides = array<i32>} : memref<128x32xf32, #tpu.memory_space<vmem>>, vector<1x16xf32>,
    %get3A_643 = vector.shape_cast %get3A_642 : vector<1x16xf32> to vector<16xf32>
    %add3A_644 = arith.addf %add3A_638, %get3A_643 : vector<16xf32>
    %get3A_645 = arith.constant 107 : i32
    %get3A_646 = arith.index_cast %get3A_645 : i32 to index
    %get3A_647 = arith.constant 0 : index
    %get3A_648 = tpu.vector_load %arg5[%get3A_646, %get3A_647] {strides = array<i32>} : memref<128x32xf32, #tpu.memory_space<vmem>>, vector<1x16xf32>,
    %get3A_649 = vector.shape_cast %get3A_648 : vector<1x16xf32> to vector<16xf32>
    %add3A_650 = arith.addf %add3A_644, %get3A_649 : vector<16xf32>
    %get3A_651 = arith.constant 108 : i32
    %get3A_652 = arith.index_cast %get3A_651 : i32 to index
    %get3A_653 = arith.constant 0 : index
    %get3A_654 = tpu.vector_load %arg5[%get3A_652, %get3A_653] {strides = array<i32>} : memref<128x32xf32, #tpu.memory_space<vmem>>, vector<1x16xf32>,
    %get3A_655 = vector.shape_cast %get3A_654 : vector<1x16xf32> to vector<16xf32>
    %add3A_656 = arith.addf %add3A_650, %get3A_655 : vector<16xf32>
    %get3A_657 = arith.constant 109 : i32
    %get3A_658 = arith.index_cast %get3A_657 : i32 to index
    %get3A_659 = arith.constant 0 : index
    %get3A_660 = tpu.vector_load %arg5[%get3A_658, %get3A_659] {strides = array<i32>} : memref<128x32xf32, #tpu.memory_space<vmem>>, vector<1x16xf32>,
    %get3A_661 = vector.shape_cast %get3A_660 : vector<1x16xf32> to vector<16xf32>
    %add3A_662 = arith.addf %add3A_656, %get3A_661 : vector<16xf32>
    %get3A_663 = arith.constant 110 : i32
    %get3A_664 = arith.index_cast %get3A_663 : i32 to index
    %get3A_665 = arith.constant 0 : index
    %get3A_666 = tpu.vector_load %arg5[%get3A_664, %get3A_665] {strides = array<i32>} : memref<128x32xf32, #tpu.memory_space<vmem>>, vector<1x16xf32>,
    %get3A_667 = vector.shape_cast %get3A_666 : vector<1x16xf32> to vector<16xf32>
    %add3A_668 = arith.addf %add3A_662, %get3A_667 : vector<16xf32>
    %get3A_669 = arith.constant 111 : i32
    %get3A_670 = arith.index_cast %get3A_669 : i32 to index
    %get3A_671 = arith.constant 0 : index
    %get3A_672 = tpu.vector_load %arg5[%get3A_670, %get3A_671] {strides = array<i32>} : memref<128x32xf32, #tpu.memory_space<vmem>>, vector<1x16xf32>,
    %get3A_673 = vector.shape_cast %get3A_672 : vector<1x16xf32> to vector<16xf32>
    %add3A_674 = arith.addf %add3A_668, %get3A_673 : vector<16xf32>
    %get3A_675 = arith.constant 112 : i32
    %get3A_676 = arith.index_cast %get3A_675 : i32 to index
    %get3A_677 = arith.constant 0 : index
    %get3A_678 = tpu.vector_load %arg5[%get3A_676, %get3A_677] {strides = array<i32>} : memref<128x32xf32, #tpu.memory_space<vmem>>, vector<1x16xf32>,
    %get3A_679 = vector.shape_cast %get3A_678 : vector<1x16xf32> to vector<16xf32>
    %add3A_680 = arith.addf %add3A_674, %get3A_679 : vector<16xf32>
    %get3A_681 = arith.constant 113 : i32
    %get3A_682 = arith.index_cast %get3A_681 : i32 to index
    %get3A_683 = arith.constant 0 : index
    %get3A_684 = tpu.vector_load %arg5[%get3A_682, %get3A_683] {strides = array<i32>} : memref<128x32xf32, #tpu.memory_space<vmem>>, vector<1x16xf32>,
    %get3A_685 = vector.shape_cast %get3A_684 : vector<1x16xf32> to vector<16xf32>
    %add3A_686 = arith.addf %add3A_680, %get3A_685 : vector<16xf32>
    %get3A_687 = arith.constant 114 : i32
    %get3A_688 = arith.index_cast %get3A_687 : i32 to index
    %get3A_689 = arith.constant 0 : index
    %get3A_690 = tpu.vector_load %arg5[%get3A_688, %get3A_689] {strides = array<i32>} : memref<128x32xf32, #tpu.memory_space<vmem>>, vector<1x16xf32>,
    %get3A_691 = vector.shape_cast %get3A_690 : vector<1x16xf32> to vector<16xf32>
    %add3A_692 = arith.addf %add3A_686, %get3A_691 : vector<16xf32>
    %get3A_693 = arith.constant 115 : i32
    %get3A_694 = arith.index_cast %get3A_693 : i32 to index
    %get3A_695 = arith.constant 0 : index
    %get3A_696 = tpu.vector_load %arg5[%get3A_694, %get3A_695] {strides = array<i32>} : memref<128x32xf32, #tpu.memory_space<vmem>>, vector<1x16xf32>,
    %get3A_697 = vector.shape_cast %get3A_696 : vector<1x16xf32> to vector<16xf32>
    %add3A_698 = arith.addf %add3A_692, %get3A_697 : vector<16xf32>
    %get3A_699 = arith.constant 116 : i32
    %get3A_700 = arith.index_cast %get3A_699 : i32 to index
    %get3A_701 = arith.constant 0 : index
    %get3A_702 = tpu.vector_load %arg5[%get3A_700, %get3A_701] {strides = array<i32>} : memref<128x32xf32, #tpu.memory_space<vmem>>, vector<1x16xf32>,
    %get3A_703 = vector.shape_cast %get3A_702 : vector<1x16xf32> to vector<16xf32>
    %add3A_704 = arith.addf %add3A_698, %get3A_703 : vector<16xf32>
    %get3A_705 = arith.constant 117 : i32
    %get3A_706 = arith.index_cast %get3A_705 : i32 to index
    %get3A_707 = arith.constant 0 : index
    %get3A_708 = tpu.vector_load %arg5[%get3A_706, %get3A_707] {strides = array<i32>} : memref<128x32xf32, #tpu.memory_space<vmem>>, vector<1x16xf32>,
    %get3A_709 = vector.shape_cast %get3A_708 : vector<1x16xf32> to vector<16xf32>
    %add3A_710 = arith.addf %add3A_704, %get3A_709 : vector<16xf32>
    %get3A_711 = arith.constant 118 : i32
    %get3A_712 = arith.index_cast %get3A_711 : i32 to index
    %get3A_713 = arith.constant 0 : index
    %get3A_714 = tpu.vector_load %arg5[%get3A_712, %get3A_713] {strides = array<i32>} : memref<128x32xf32, #tpu.memory_space<vmem>>, vector<1x16xf32>,
    %get3A_715 = vector.shape_cast %get3A_714 : vector<1x16xf32> to vector<16xf32>
    %add3A_716 = arith.addf %add3A_710, %get3A_715 : vector<16xf32>
    %get3A_717 = arith.constant 119 : i32
    %get3A_718 = arith.index_cast %get3A_717 : i32 to index
    %get3A_719 = arith.constant 0 : index
    %get3A_720 = tpu.vector_load %arg5[%get3A_718, %get3A_719] {strides = array<i32>} : memref<128x32xf32, #tpu.memory_space<vmem>>, vector<1x16xf32>,
    %get3A_721 = vector.shape_cast %get3A_720 : vector<1x16xf32> to vector<16xf32>
    %add3A_722 = arith.addf %add3A_716, %get3A_721 : vector<16xf32>
    %get3A_723 = arith.constant 120 : i32
    %get3A_724 = arith.index_cast %get3A_723 : i32 to index
    %get3A_725 = arith.constant 0 : index
    %get3A_726 = tpu.vector_load %arg5[%get3A_724, %get3A_725] {strides = array<i32>} : memref<128x32xf32, #tpu.memory_space<vmem>>, vector<1x16xf32>,
    %get3A_727 = vector.shape_cast %get3A_726 : vector<1x16xf32> to vector<16xf32>
    %add3A_728 = arith.addf %add3A_722, %get3A_727 : vector<16xf32>
    %get3A_729 = arith.constant 121 : i32
    %get3A_730 = arith.index_cast %get3A_729 : i32 to index
    %get3A_731 = arith.constant 0 : index
    %get3A_732 = tpu.vector_load %arg5[%get3A_730, %get3A_731] {strides = array<i32>} : memref<128x32xf32, #tpu.memory_space<vmem>>, vector<1x16xf32>,
    %get3A_733 = vector.shape_cast %get3A_732 : vector<1x16xf32> to vector<16xf32>
    %add3A_734 = arith.addf %add3A_728, %get3A_733 : vector<16xf32>
    %get3A_735 = arith.constant 122 : i32
    %get3A_736 = arith.index_cast %get3A_735 : i32 to index
    %get3A_737 = arith.constant 0 : index
    %get3A_738 = tpu.vector_load %arg5[%get3A_736, %get3A_737] {strides = array<i32>} : memref<128x32xf32, #tpu.memory_space<vmem>>, vector<1x16xf32>,
    %get3A_739 = vector.shape_cast %get3A_738 : vector<1x16xf32> to vector<16xf32>
    %add3A_740 = arith.addf %add3A_734, %get3A_739 : vector<16xf32>
    %get3A_741 = arith.constant 123 : i32
    %get3A_742 = arith.index_cast %get3A_741 : i32 to index
    %get3A_743 = arith.constant 0 : index
    %get3A_744 = tpu.vector_load %arg5[%get3A_742, %get3A_743] {strides = array<i32>} : memref<128x32xf32, #tpu.memory_space<vmem>>, vector<1x16xf32>,
    %get3A_745 = vector.shape_cast %get3A_744 : vector<1x16xf32> to vector<16xf32>
    %add3A_746 = arith.addf %add3A_740, %get3A_745 : vector<16xf32>
    %get3A_747 = arith.constant 124 : i32
    %get3A_748 = arith.index_cast %get3A_747 : i32 to index
    %get3A_749 = arith.constant 0 : index
    %get3A_750 = tpu.vector_load %arg5[%get3A_748, %get3A_749] {strides = array<i32>} : memref<128x32xf32, #tpu.memory_space<vmem>>, vector<1x16xf32>,
    %get3A_751 = vector.shape_cast %get3A_750 : vector<1x16xf32> to vector<16xf32>
    %add3A_752 = arith.addf %add3A_746, %get3A_751 : vector<16xf32>
    %get3A_753 = arith.constant 125 : i32
    %get3A_754 = arith.index_cast %get3A_753 : i32 to index
    %get3A_755 = arith.constant 0 : index
    %get3A_756 = tpu.vector_load %arg5[%get3A_754, %get3A_755] {strides = array<i32>} : memref<128x32xf32, #tpu.memory_space<vmem>>, vector<1x16xf32>,
    %get3A_757 = vector.shape_cast %get3A_756 : vector<1x16xf32> to vector<16xf32>
    %add3A_758 = arith.addf %add3A_752, %get3A_757 : vector<16xf32>
    %get3A_759 = arith.constant 126 : i32
    %get3A_760 = arith.index_cast %get3A_759 : i32 to index
    %get3A_761 = arith.constant 0 : index
    %get3A_762 = tpu.vector_load %arg5[%get3A_760, %get3A_761] {strides = array<i32>} : memref<128x32xf32, #tpu.memory_space<vmem>>, vector<1x16xf32>,
    %get3A_763 = vector.shape_cast %get3A_762 : vector<1x16xf32> to vector<16xf32>
    %add3A_764 = arith.addf %add3A_758, %get3A_763 : vector<16xf32>
    %get3A_765 = arith.constant 127 : i32
    %get3A_766 = arith.index_cast %get3A_765 : i32 to index
    %get3A_767 = arith.constant 0 : index
    %get3A_768 = tpu.vector_load %arg5[%get3A_766, %get3A_767] {strides = array<i32>} : memref<128x32xf32, #tpu.memory_space<vmem>>, vector<1x16xf32>,
    %get3A_769 = vector.shape_cast %get3A_768 : vector<1x16xf32> to vector<16xf32>
    %add3A_770 = arith.addf %add3A_764, %get3A_769 : vector<16xf32>
    %broadcast_in_dim3A_771 = arith.constant 0.000000e+00 : f32
    %broadcast_in_dim3A_772 = vector.broadcast %broadcast_in_dim3A_771 : f32 to vector<16xf32>
    %get3A_773 = arith.constant 0 : i32
    %get3A_774 = arith.index_cast %get3A_773 : i32 to index
    %get3A_775 = arith.constant 16 : index
    %get3A_776 = tpu.vector_load %arg5[%get3A_774, %get3A_775] {strides = array<i32>} : memref<128x32xf32, #tpu.memory_space<vmem>>, vector<1x16xf32>,
    %get3A_777 = vector.shape_cast %get3A_776 : vector<1x16xf32> to vector<16xf32>
    %add3A_778 = arith.addf %broadcast_in_dim3A_772, %get3A_777 : vector<16xf32>
    %get3A_779 = arith.constant 1 : i32
    %get3A_780 = arith.index_cast %get3A_779 : i32 to index
    %get3A_781 = arith.constant 16 : index
    %get3A_782 = tpu.vector_load %arg5[%get3A_780, %get3A_781] {strides = array<i32>} : memref<128x32xf32, #tpu.memory_space<vmem>>, vector<1x16xf32>,
    %get3A_783 = vector.shape_cast %get3A_782 : vector<1x16xf32> to vector<16xf32>
    %add3A_784 = arith.addf %add3A_778, %get3A_783 : vector<16xf32>
    %get3A_785 = arith.constant 2 : i32
    %get3A_786 = arith.index_cast %get3A_785 : i32 to index
    %get3A_787 = arith.constant 16 : index
    %get3A_788 = tpu.vector_load %arg5[%get3A_786, %get3A_787] {strides = array<i32>} : memref<128x32xf32, #tpu.memory_space<vmem>>, vector<1x16xf32>,
    %get3A_789 = vector.shape_cast %get3A_788 : vector<1x16xf32> to vector<16xf32>
    %add3A_790 = arith.addf %add3A_784, %get3A_789 : vector<16xf32>
    %get3A_791 = arith.constant 3 : i32
    %get3A_792 = arith.index_cast %get3A_791 : i32 to index
    %get3A_793 = arith.constant 16 : index
    %get3A_794 = tpu.vector_load %arg5[%get3A_792, %get3A_793] {strides = array<i32>} : memref<128x32xf32, #tpu.memory_space<vmem>>, vector<1x16xf32>,
    %get3A_795 = vector.shape_cast %get3A_794 : vector<1x16xf32> to vector<16xf32>
    %add3A_796 = arith.addf %add3A_790, %get3A_795 : vector<16xf32>
    %get3A_797 = arith.constant 4 : i32
    %get3A_798 = arith.index_cast %get3A_797 : i32 to index
    %get3A_799 = arith.constant 16 : index
    %get3A_800 = tpu.vector_load %arg5[%get3A_798, %get3A_799] {strides = array<i32>} : memref<128x32xf32, #tpu.memory_space<vmem>>, vector<1x16xf32>,
    %get3A_801 = vector.shape_cast %get3A_800 : vector<1x16xf32> to vector<16xf32>
    %add3A_802 = arith.addf %add3A_796, %get3A_801 : vector<16xf32>
    %get3A_803 = arith.constant 5 : i32
    %get3A_804 = arith.index_cast %get3A_803 : i32 to index
    %get3A_805 = arith.constant 16 : index
    %get3A_806 = tpu.vector_load %arg5[%get3A_804, %get3A_805] {strides = array<i32>} : memref<128x32xf32, #tpu.memory_space<vmem>>, vector<1x16xf32>,
    %get3A_807 = vector.shape_cast %get3A_806 : vector<1x16xf32> to vector<16xf32>
    %add3A_808 = arith.addf %add3A_802, %get3A_807 : vector<16xf32>
    %get3A_809 = arith.constant 6 : i32
    %get3A_810 = arith.index_cast %get3A_809 : i32 to index
    %get3A_811 = arith.constant 16 : index
    %get3A_812 = tpu.vector_load %arg5[%get3A_810, %get3A_811] {strides = array<i32>} : memref<128x32xf32, #tpu.memory_space<vmem>>, vector<1x16xf32>,
    %get3A_813 = vector.shape_cast %get3A_812 : vector<1x16xf32> to vector<16xf32>
    %add3A_814 = arith.addf %add3A_808, %get3A_813 : vector<16xf32>
    %get3A_815 = arith.constant 7 : i32
    %get3A_816 = arith.index_cast %get3A_815 : i32 to index
    %get3A_817 = arith.constant 16 : index
    %get3A_818 = tpu.vector_load %arg5[%get3A_816, %get3A_817] {strides = array<i32>} : memref<128x32xf32, #tpu.memory_space<vmem>>, vector<1x16xf32>,
    %get3A_819 = vector.shape_cast %get3A_818 : vector<1x16xf32> to vector<16xf32>
    %add3A_820 = arith.addf %add3A_814, %get3A_819 : vector<16xf32>
    %get3A_821 = arith.constant 8 : i32
    %get3A_822 = arith.index_cast %get3A_821 : i32 to index
    %get3A_823 = arith.constant 16 : index
    %get3A_824 = tpu.vector_load %arg5[%get3A_822, %get3A_823] {strides = array<i32>} : memref<128x32xf32, #tpu.memory_space<vmem>>, vector<1x16xf32>,
    %get3A_825 = vector.shape_cast %get3A_824 : vector<1x16xf32> to vector<16xf32>
    %add3A_826 = arith.addf %add3A_820, %get3A_825 : vector<16xf32>
    %get3A_827 = arith.constant 9 : i32
    %get3A_828 = arith.index_cast %get3A_827 : i32 to index
    %get3A_829 = arith.constant 16 : index
    %get3A_830 = tpu.vector_load %arg5[%get3A_828, %get3A_829] {strides = array<i32>} : memref<128x32xf32, #tpu.memory_space<vmem>>, vector<1x16xf32>,
    %get3A_831 = vector.shape_cast %get3A_830 : vector<1x16xf32> to vector<16xf32>
    %add3A_832 = arith.addf %add3A_826, %get3A_831 : vector<16xf32>
    %get3A_833 = arith.constant 10 : i32
    %get3A_834 = arith.index_cast %get3A_833 : i32 to index
    %get3A_835 = arith.constant 16 : index
    %get3A_836 = tpu.vector_load %arg5[%get3A_834, %get3A_835] {strides = array<i32>} : memref<128x32xf32, #tpu.memory_space<vmem>>, vector<1x16xf32>,
    %get3A_837 = vector.shape_cast %get3A_836 : vector<1x16xf32> to vector<16xf32>
    %add3A_838 = arith.addf %add3A_832, %get3A_837 : vector<16xf32>
    %get3A_839 = arith.constant 11 : i32
    %get3A_840 = arith.index_cast %get3A_839 : i32 to index
    %get3A_841 = arith.constant 16 : index
    %get3A_842 = tpu.vector_load %arg5[%get3A_840, %get3A_841] {strides = array<i32>} : memref<128x32xf32, #tpu.memory_space<vmem>>, vector<1x16xf32>,
    %get3A_843 = vector.shape_cast %get3A_842 : vector<1x16xf32> to vector<16xf32>
    %add3A_844 = arith.addf %add3A_838, %get3A_843 : vector<16xf32>
    %get3A_845 = arith.constant 12 : i32
    %get3A_846 = arith.index_cast %get3A_845 : i32 to index
    %get3A_847 = arith.constant 16 : index
    %get3A_848 = tpu.vector_load %arg5[%get3A_846, %get3A_847] {strides = array<i32>} : memref<128x32xf32, #tpu.memory_space<vmem>>, vector<1x16xf32>,
    %get3A_849 = vector.shape_cast %get3A_848 : vector<1x16xf32> to vector<16xf32>
    %add3A_850 = arith.addf %add3A_844, %get3A_849 : vector<16xf32>
    %get3A_851 = arith.constant 13 : i32
    %get3A_852 = arith.index_cast %get3A_851 : i32 to index
    %get3A_853 = arith.constant 16 : index
    %get3A_854 = tpu.vector_load %arg5[%get3A_852, %get3A_853] {strides = array<i32>} : memref<128x32xf32, #tpu.memory_space<vmem>>, vector<1x16xf32>,
    %get3A_855 = vector.shape_cast %get3A_854 : vector<1x16xf32> to vector<16xf32>
    %add3A_856 = arith.addf %add3A_850, %get3A_855 : vector<16xf32>
    %get3A_857 = arith.constant 14 : i32
    %get3A_858 = arith.index_cast %get3A_857 : i32 to index
    %get3A_859 = arith.constant 16 : index
    %get3A_860 = tpu.vector_load %arg5[%get3A_858, %get3A_859] {strides = array<i32>} : memref<128x32xf32, #tpu.memory_space<vmem>>, vector<1x16xf32>,
    %get3A_861 = vector.shape_cast %get3A_860 : vector<1x16xf32> to vector<16xf32>
    %add3A_862 = arith.addf %add3A_856, %get3A_861 : vector<16xf32>
    %get3A_863 = arith.constant 15 : i32
    %get3A_864 = arith.index_cast %get3A_863 : i32 to index
    %get3A_865 = arith.constant 16 : index
    %get3A_866 = tpu.vector_load %arg5[%get3A_864, %get3A_865] {strides = array<i32>} : memref<128x32xf32, #tpu.memory_space<vmem>>, vector<1x16xf32>,
    %get3A_867 = vector.shape_cast %get3A_866 : vector<1x16xf32> to vector<16xf32>
    %add3A_868 = arith.addf %add3A_862, %get3A_867 : vector<16xf32>
    %get3A_869 = arith.constant 16 : i32
    %get3A_870 = arith.index_cast %get3A_869 : i32 to index
    %get3A_871 = arith.constant 16 : index
    %get3A_872 = tpu.vector_load %arg5[%get3A_870, %get3A_871] {strides = array<i32>} : memref<128x32xf32, #tpu.memory_space<vmem>>, vector<1x16xf32>,
    %get3A_873 = vector.shape_cast %get3A_872 : vector<1x16xf32> to vector<16xf32>
    %add3A_874 = arith.addf %add3A_868, %get3A_873 : vector<16xf32>
    %get3A_875 = arith.constant 17 : i32
    %get3A_876 = arith.index_cast %get3A_875 : i32 to index
    %get3A_877 = arith.constant 16 : index
    %get3A_878 = tpu.vector_load %arg5[%get3A_876, %get3A_877] {strides = array<i32>} : memref<128x32xf32, #tpu.memory_space<vmem>>, vector<1x16xf32>,
    %get3A_879 = vector.shape_cast %get3A_878 : vector<1x16xf32> to vector<16xf32>
    %add3A_880 = arith.addf %add3A_874, %get3A_879 : vector<16xf32>
    %get3A_881 = arith.constant 18 : i32
    %get3A_882 = arith.index_cast %get3A_881 : i32 to index
    %get3A_883 = arith.constant 16 : index
    %get3A_884 = tpu.vector_load %arg5[%get3A_882, %get3A_883] {strides = array<i32>} : memref<128x32xf32, #tpu.memory_space<vmem>>, vector<1x16xf32>,
    %get3A_885 = vector.shape_cast %get3A_884 : vector<1x16xf32> to vector<16xf32>
    %add3A_886 = arith.addf %add3A_880, %get3A_885 : vector<16xf32>
    %get3A_887 = arith.constant 19 : i32
    %get3A_888 = arith.index_cast %get3A_887 : i32 to index
    %get3A_889 = arith.constant 16 : index
    %get3A_890 = tpu.vector_load %arg5[%get3A_888, %get3A_889] {strides = array<i32>} : memref<128x32xf32, #tpu.memory_space<vmem>>, vector<1x16xf32>,
    %get3A_891 = vector.shape_cast %get3A_890 : vector<1x16xf32> to vector<16xf32>
    %add3A_892 = arith.addf %add3A_886, %get3A_891 : vector<16xf32>
    %get3A_893 = arith.constant 20 : i32
    %get3A_894 = arith.index_cast %get3A_893 : i32 to index
    %get3A_895 = arith.constant 16 : index
    %get3A_896 = tpu.vector_load %arg5[%get3A_894, %get3A_895] {strides = array<i32>} : memref<128x32xf32, #tpu.memory_space<vmem>>, vector<1x16xf32>,
    %get3A_897 = vector.shape_cast %get3A_896 : vector<1x16xf32> to vector<16xf32>
    %add3A_898 = arith.addf %add3A_892, %get3A_897 : vector<16xf32>
    %get3A_899 = arith.constant 21 : i32
    %get3A_900 = arith.index_cast %get3A_899 : i32 to index
    %get3A_901 = arith.constant 16 : index
    %get3A_902 = tpu.vector_load %arg5[%get3A_900, %get3A_901] {strides = array<i32>} : memref<128x32xf32, #tpu.memory_space<vmem>>, vector<1x16xf32>,
    %get3A_903 = vector.shape_cast %get3A_902 : vector<1x16xf32> to vector<16xf32>
    %add3A_904 = arith.addf %add3A_898, %get3A_903 : vector<16xf32>
    %get3A_905 = arith.constant 22 : i32
    %get3A_906 = arith.index_cast %get3A_905 : i32 to index
    %get3A_907 = arith.constant 16 : index
    %get3A_908 = tpu.vector_load %arg5[%get3A_906, %get3A_907] {strides = array<i32>} : memref<128x32xf32, #tpu.memory_space<vmem>>, vector<1x16xf32>,
    %get3A_909 = vector.shape_cast %get3A_908 : vector<1x16xf32> to vector<16xf32>
    %add3A_910 = arith.addf %add3A_904, %get3A_909 : vector<16xf32>
    %get3A_911 = arith.constant 23 : i32
    %get3A_912 = arith.index_cast %get3A_911 : i32 to index
    %get3A_913 = arith.constant 16 : index
    %get3A_914 = tpu.vector_load %arg5[%get3A_912, %get3A_913] {strides = array<i32>} : memref<128x32xf32, #tpu.memory_space<vmem>>, vector<1x16xf32>,
    %get3A_915 = vector.shape_cast %get3A_914 : vector<1x16xf32> to vector<16xf32>
    %add3A_916 = arith.addf %add3A_910, %get3A_915 : vector<16xf32>
    %get3A_917 = arith.constant 24 : i32
    %get3A_918 = arith.index_cast %get3A_917 : i32 to index
    %get3A_919 = arith.constant 16 : index
    %get3A_920 = tpu.vector_load %arg5[%get3A_918, %get3A_919] {strides = array<i32>} : memref<128x32xf32, #tpu.memory_space<vmem>>, vector<1x16xf32>,
    %get3A_921 = vector.shape_cast %get3A_920 : vector<1x16xf32> to vector<16xf32>
    %add3A_922 = arith.addf %add3A_916, %get3A_921 : vector<16xf32>
    %get3A_923 = arith.constant 25 : i32
    %get3A_924 = arith.index_cast %get3A_923 : i32 to index
    %get3A_925 = arith.constant 16 : index
    %get3A_926 = tpu.vector_load %arg5[%get3A_924, %get3A_925] {strides = array<i32>} : memref<128x32xf32, #tpu.memory_space<vmem>>, vector<1x16xf32>,
    %get3A_927 = vector.shape_cast %get3A_926 : vector<1x16xf32> to vector<16xf32>
    %add3A_928 = arith.addf %add3A_922, %get3A_927 : vector<16xf32>
    %get3A_929 = arith.constant 26 : i32
    %get3A_930 = arith.index_cast %get3A_929 : i32 to index
    %get3A_931 = arith.constant 16 : index
    %get3A_932 = tpu.vector_load %arg5[%get3A_930, %get3A_931] {strides = array<i32>} : memref<128x32xf32, #tpu.memory_space<vmem>>, vector<1x16xf32>,
    %get3A_933 = vector.shape_cast %get3A_932 : vector<1x16xf32> to vector<16xf32>
    %add3A_934 = arith.addf %add3A_928, %get3A_933 : vector<16xf32>
    %get3A_935 = arith.constant 27 : i32
    %get3A_936 = arith.index_cast %get3A_935 : i32 to index
    %get3A_937 = arith.constant 16 : index
    %get3A_938 = tpu.vector_load %arg5[%get3A_936, %get3A_937] {strides = array<i32>} : memref<128x32xf32, #tpu.memory_space<vmem>>, vector<1x16xf32>,
    %get3A_939 = vector.shape_cast %get3A_938 : vector<1x16xf32> to vector<16xf32>
    %add3A_940 = arith.addf %add3A_934, %get3A_939 : vector<16xf32>
    %get3A_941 = arith.constant 28 : i32
    %get3A_942 = arith.index_cast %get3A_941 : i32 to index
    %get3A_943 = arith.constant 16 : index
    %get3A_944 = tpu.vector_load %arg5[%get3A_942, %get3A_943] {strides = array<i32>} : memref<128x32xf32, #tpu.memory_space<vmem>>, vector<1x16xf32>,
    %get3A_945 = vector.shape_cast %get3A_944 : vector<1x16xf32> to vector<16xf32>
    %add3A_946 = arith.addf %add3A_940, %get3A_945 : vector<16xf32>
    %get3A_947 = arith.constant 29 : i32
    %get3A_948 = arith.index_cast %get3A_947 : i32 to index
    %get3A_949 = arith.constant 16 : index
    %get3A_950 = tpu.vector_load %arg5[%get3A_948, %get3A_949] {strides = array<i32>} : memref<128x32xf32, #tpu.memory_space<vmem>>, vector<1x16xf32>,
    %get3A_951 = vector.shape_cast %get3A_950 : vector<1x16xf32> to vector<16xf32>
    %add3A_952 = arith.addf %add3A_946, %get3A_951 : vector<16xf32>
    %get3A_953 = arith.constant 30 : i32
    %get3A_954 = arith.index_cast %get3A_953 : i32 to index
    %get3A_955 = arith.constant 16 : index
    %get3A_956 = tpu.vector_load %arg5[%get3A_954, %get3A_955] {strides = array<i32>} : memref<128x32xf32, #tpu.memory_space<vmem>>, vector<1x16xf32>,
    %get3A_957 = vector.shape_cast %get3A_956 : vector<1x16xf32> to vector<16xf32>
    %add3A_958 = arith.addf %add3A_952, %get3A_957 : vector<16xf32>
    %get3A_959 = arith.constant 31 : i32
    %get3A_960 = arith.index_cast %get3A_959 : i32 to index
    %get3A_961 = arith.constant 16 : index
    %get3A_962 = tpu.vector_load %arg5[%get3A_960, %get3A_961] {strides = array<i32>} : memref<128x32xf32, #tpu.memory_space<vmem>>, vector<1x16xf32>,
    %get3A_963 = vector.shape_cast %get3A_962 : vector<1x16xf32> to vector<16xf32>
    %add3A_964 = arith.addf %add3A_958, %get3A_963 : vector<16xf32>
    %get3A_965 = arith.constant 32 : i32
    %get3A_966 = arith.index_cast %get3A_965 : i32 to index
    %get3A_967 = arith.constant 16 : index
    %get3A_968 = tpu.vector_load %arg5[%get3A_966, %get3A_967] {strides = array<i32>} : memref<128x32xf32, #tpu.memory_space<vmem>>, vector<1x16xf32>,
    %get3A_969 = vector.shape_cast %get3A_968 : vector<1x16xf32> to vector<16xf32>
    %add3A_970 = arith.addf %add3A_964, %get3A_969 : vector<16xf32>
    %get3A_971 = arith.constant 33 : i32
    %get3A_972 = arith.index_cast %get3A_971 : i32 to index
    %get3A_973 = arith.constant 16 : index
    %get3A_974 = tpu.vector_load %arg5[%get3A_972, %get3A_973] {strides = array<i32>} : memref<128x32xf32, #tpu.memory_space<vmem>>, vector<1x16xf32>,
    %get3A_975 = vector.shape_cast %get3A_974 : vector<1x16xf32> to vector<16xf32>
    %add3A_976 = arith.addf %add3A_970, %get3A_975 : vector<16xf32>
    %get3A_977 = arith.constant 34 : i32
    %get3A_978 = arith.index_cast %get3A_977 : i32 to index
    %get3A_979 = arith.constant 16 : index
    %get3A_980 = tpu.vector_load %arg5[%get3A_978, %get3A_979] {strides = array<i32>} : memref<128x32xf32, #tpu.memory_space<vmem>>, vector<1x16xf32>,
    %get3A_981 = vector.shape_cast %get3A_980 : vector<1x16xf32> to vector<16xf32>
    %add3A_982 = arith.addf %add3A_976, %get3A_981 : vector<16xf32>
    %get3A_983 = arith.constant 35 : i32
    %get3A_984 = arith.index_cast %get3A_983 : i32 to index
    %get3A_985 = arith.constant 16 : index
    %get3A_986 = tpu.vector_load %arg5[%get3A_984, %get3A_985] {strides = array<i32>} : memref<128x32xf32, #tpu.memory_space<vmem>>, vector<1x16xf32>,
    %get3A_987 = vector.shape_cast %get3A_986 : vector<1x16xf32> to vector<16xf32>
    %add3A_988 = arith.addf %add3A_982, %get3A_987 : vector<16xf32>
    %get3A_989 = arith.constant 36 : i32
    %get3A_990 = arith.index_cast %get3A_989 : i32 to index
    %get3A_991 = arith.constant 16 : index
    %get3A_992 = tpu.vector_load %arg5[%get3A_990, %get3A_991] {strides = array<i32>} : memref<128x32xf32, #tpu.memory_space<vmem>>, vector<1x16xf32>,
    %get3A_993 = vector.shape_cast %get3A_992 : vector<1x16xf32> to vector<16xf32>
    %add3A_994 = arith.addf %add3A_988, %get3A_993 : vector<16xf32>
    %get3A_995 = arith.constant 37 : i32
    %get3A_996 = arith.index_cast %get3A_995 : i32 to index
    %get3A_997 = arith.constant 16 : index
    %get3A_998 = tpu.vector_load %arg5[%get3A_996, %get3A_997] {strides = array<i32>} : memref<128x32xf32, #tpu.memory_space<vmem>>, vector<1x16xf32>,
    %get3A_999 = vector.shape_cast %get3A_998 : vector<1x16xf32> to vector<16xf32>
    %add3A_1000 = arith.addf %add3A_994, %get3A_999 : vector<16xf32>
    %get3A_1001 = arith.constant 38 : i32
    %get3A_1002 = arith.index_cast %get3A_1001 : i32 to index
    %get3A_1003 = arith.constant 16 : index
    %get3A_1004 = tpu.vector_load %arg5[%get3A_1002, %get3A_1003] {strides = array<i32>} : memref<128x32xf32, #tpu.memory_space<vmem>>, vector<1x16xf32>,
    %get3A_1005 = vector.shape_cast %get3A_1004 : vector<1x16xf32> to vector<16xf32>
    %add3A_1006 = arith.addf %add3A_1000, %get3A_1005 : vector<16xf32>
    %get3A_1007 = arith.constant 39 : i32
    %get3A_1008 = arith.index_cast %get3A_1007 : i32 to index
    %get3A_1009 = arith.constant 16 : index
    %get3A_1010 = tpu.vector_load %arg5[%get3A_1008, %get3A_1009] {strides = array<i32>} : memref<128x32xf32, #tpu.memory_space<vmem>>, vector<1x16xf32>,
    %get3A_1011 = vector.shape_cast %get3A_1010 : vector<1x16xf32> to vector<16xf32>
    %add3A_1012 = arith.addf %add3A_1006, %get3A_1011 : vector<16xf32>
    %get3A_1013 = arith.constant 40 : i32
    %get3A_1014 = arith.index_cast %get3A_1013 : i32 to index
    %get3A_1015 = arith.constant 16 : index
    %get3A_1016 = tpu.vector_load %arg5[%get3A_1014, %get3A_1015] {strides = array<i32>} : memref<128x32xf32, #tpu.memory_space<vmem>>, vector<1x16xf32>,
    %get3A_1017 = vector.shape_cast %get3A_1016 : vector<1x16xf32> to vector<16xf32>
    %add3A_1018 = arith.addf %add3A_1012, %get3A_1017 : vector<16xf32>
    %get3A_1019 = arith.constant 41 : i32
    %get3A_1020 = arith.index_cast %get3A_1019 : i32 to index
    %get3A_1021 = arith.constant 16 : index
    %get3A_1022 = tpu.vector_load %arg5[%get3A_1020, %get3A_1021] {strides = array<i32>} : memref<128x32xf32, #tpu.memory_space<vmem>>, vector<1x16xf32>,
    %get3A_1023 = vector.shape_cast %get3A_1022 : vector<1x16xf32> to vector<16xf32>
    %add3A_1024 = arith.addf %add3A_1018, %get3A_1023 : vector<16xf32>
    %get3A_1025 = arith.constant 42 : i32
    %get3A_1026 = arith.index_cast %get3A_1025 : i32 to index
    %get3A_1027 = arith.constant 16 : index
    %get3A_1028 = tpu.vector_load %arg5[%get3A_1026, %get3A_1027] {strides = array<i32>} : memref<128x32xf32, #tpu.memory_space<vmem>>, vector<1x16xf32>,
    %get3A_1029 = vector.shape_cast %get3A_1028 : vector<1x16xf32> to vector<16xf32>
    %add3A_1030 = arith.addf %add3A_1024, %get3A_1029 : vector<16xf32>
    %get3A_1031 = arith.constant 43 : i32
    %get3A_1032 = arith.index_cast %get3A_1031 : i32 to index
    %get3A_1033 = arith.constant 16 : index
    %get3A_1034 = tpu.vector_load %arg5[%get3A_1032, %get3A_1033] {strides = array<i32>} : memref<128x32xf32, #tpu.memory_space<vmem>>, vector<1x16xf32>,
    %get3A_1035 = vector.shape_cast %get3A_1034 : vector<1x16xf32> to vector<16xf32>
    %add3A_1036 = arith.addf %add3A_1030, %get3A_1035 : vector<16xf32>
    %get3A_1037 = arith.constant 44 : i32
    %get3A_1038 = arith.index_cast %get3A_1037 : i32 to index
    %get3A_1039 = arith.constant 16 : index
    %get3A_1040 = tpu.vector_load %arg5[%get3A_1038, %get3A_1039] {strides = array<i32>} : memref<128x32xf32, #tpu.memory_space<vmem>>, vector<1x16xf32>,
    %get3A_1041 = vector.shape_cast %get3A_1040 : vector<1x16xf32> to vector<16xf32>
    %add3A_1042 = arith.addf %add3A_1036, %get3A_1041 : vector<16xf32>
    %get3A_1043 = arith.constant 45 : i32
    %get3A_1044 = arith.index_cast %get3A_1043 : i32 to index
    %get3A_1045 = arith.constant 16 : index
    %get3A_1046 = tpu.vector_load %arg5[%get3A_1044, %get3A_1045] {strides = array<i32>} : memref<128x32xf32, #tpu.memory_space<vmem>>, vector<1x16xf32>,
    %get3A_1047 = vector.shape_cast %get3A_1046 : vector<1x16xf32> to vector<16xf32>
    %add3A_1048 = arith.addf %add3A_1042, %get3A_1047 : vector<16xf32>
    %get3A_1049 = arith.constant 46 : i32
    %get3A_1050 = arith.index_cast %get3A_1049 : i32 to index
    %get3A_1051 = arith.constant 16 : index
    %get3A_1052 = tpu.vector_load %arg5[%get3A_1050, %get3A_1051] {strides = array<i32>} : memref<128x32xf32, #tpu.memory_space<vmem>>, vector<1x16xf32>,
    %get3A_1053 = vector.shape_cast %get3A_1052 : vector<1x16xf32> to vector<16xf32>
    %add3A_1054 = arith.addf %add3A_1048, %get3A_1053 : vector<16xf32>
    %get3A_1055 = arith.constant 47 : i32
    %get3A_1056 = arith.index_cast %get3A_1055 : i32 to index
    %get3A_1057 = arith.constant 16 : index
    %get3A_1058 = tpu.vector_load %arg5[%get3A_1056, %get3A_1057] {strides = array<i32>} : memref<128x32xf32, #tpu.memory_space<vmem>>, vector<1x16xf32>,
    %get3A_1059 = vector.shape_cast %get3A_1058 : vector<1x16xf32> to vector<16xf32>
    %add3A_1060 = arith.addf %add3A_1054, %get3A_1059 : vector<16xf32>
    %get3A_1061 = arith.constant 48 : i32
    %get3A_1062 = arith.index_cast %get3A_1061 : i32 to index
    %get3A_1063 = arith.constant 16 : index
    %get3A_1064 = tpu.vector_load %arg5[%get3A_1062, %get3A_1063] {strides = array<i32>} : memref<128x32xf32, #tpu.memory_space<vmem>>, vector<1x16xf32>,
    %get3A_1065 = vector.shape_cast %get3A_1064 : vector<1x16xf32> to vector<16xf32>
    %add3A_1066 = arith.addf %add3A_1060, %get3A_1065 : vector<16xf32>
    %get3A_1067 = arith.constant 49 : i32
    %get3A_1068 = arith.index_cast %get3A_1067 : i32 to index
    %get3A_1069 = arith.constant 16 : index
    %get3A_1070 = tpu.vector_load %arg5[%get3A_1068, %get3A_1069] {strides = array<i32>} : memref<128x32xf32, #tpu.memory_space<vmem>>, vector<1x16xf32>,
    %get3A_1071 = vector.shape_cast %get3A_1070 : vector<1x16xf32> to vector<16xf32>
    %add3A_1072 = arith.addf %add3A_1066, %get3A_1071 : vector<16xf32>
    %get3A_1073 = arith.constant 50 : i32
    %get3A_1074 = arith.index_cast %get3A_1073 : i32 to index
    %get3A_1075 = arith.constant 16 : index
    %get3A_1076 = tpu.vector_load %arg5[%get3A_1074, %get3A_1075] {strides = array<i32>} : memref<128x32xf32, #tpu.memory_space<vmem>>, vector<1x16xf32>,
    %get3A_1077 = vector.shape_cast %get3A_1076 : vector<1x16xf32> to vector<16xf32>
    %add3A_1078 = arith.addf %add3A_1072, %get3A_1077 : vector<16xf32>
    %get3A_1079 = arith.constant 51 : i32
    %get3A_1080 = arith.index_cast %get3A_1079 : i32 to index
    %get3A_1081 = arith.constant 16 : index
    %get3A_1082 = tpu.vector_load %arg5[%get3A_1080, %get3A_1081] {strides = array<i32>} : memref<128x32xf32, #tpu.memory_space<vmem>>, vector<1x16xf32>,
    %get3A_1083 = vector.shape_cast %get3A_1082 : vector<1x16xf32> to vector<16xf32>
    %add3A_1084 = arith.addf %add3A_1078, %get3A_1083 : vector<16xf32>
    %get3A_1085 = arith.constant 52 : i32
    %get3A_1086 = arith.index_cast %get3A_1085 : i32 to index
    %get3A_1087 = arith.constant 16 : index
    %get3A_1088 = tpu.vector_load %arg5[%get3A_1086, %get3A_1087] {strides = array<i32>} : memref<128x32xf32, #tpu.memory_space<vmem>>, vector<1x16xf32>,
    %get3A_1089 = vector.shape_cast %get3A_1088 : vector<1x16xf32> to vector<16xf32>
    %add3A_1090 = arith.addf %add3A_1084, %get3A_1089 : vector<16xf32>
    %get3A_1091 = arith.constant 53 : i32
    %get3A_1092 = arith.index_cast %get3A_1091 : i32 to index
    %get3A_1093 = arith.constant 16 : index
    %get3A_1094 = tpu.vector_load %arg5[%get3A_1092, %get3A_1093] {strides = array<i32>} : memref<128x32xf32, #tpu.memory_space<vmem>>, vector<1x16xf32>,
    %get3A_1095 = vector.shape_cast %get3A_1094 : vector<1x16xf32> to vector<16xf32>
    %add3A_1096 = arith.addf %add3A_1090, %get3A_1095 : vector<16xf32>
    %get3A_1097 = arith.constant 54 : i32
    %get3A_1098 = arith.index_cast %get3A_1097 : i32 to index
    %get3A_1099 = arith.constant 16 : index
    %get3A_1100 = tpu.vector_load %arg5[%get3A_1098, %get3A_1099] {strides = array<i32>} : memref<128x32xf32, #tpu.memory_space<vmem>>, vector<1x16xf32>,
    %get3A_1101 = vector.shape_cast %get3A_1100 : vector<1x16xf32> to vector<16xf32>
    %add3A_1102 = arith.addf %add3A_1096, %get3A_1101 : vector<16xf32>
    %get3A_1103 = arith.constant 55 : i32
    %get3A_1104 = arith.index_cast %get3A_1103 : i32 to index
    %get3A_1105 = arith.constant 16 : index
    %get3A_1106 = tpu.vector_load %arg5[%get3A_1104, %get3A_1105] {strides = array<i32>} : memref<128x32xf32, #tpu.memory_space<vmem>>, vector<1x16xf32>,
    %get3A_1107 = vector.shape_cast %get3A_1106 : vector<1x16xf32> to vector<16xf32>
    %add3A_1108 = arith.addf %add3A_1102, %get3A_1107 : vector<16xf32>
    %get3A_1109 = arith.constant 56 : i32
    %get3A_1110 = arith.index_cast %get3A_1109 : i32 to index
    %get3A_1111 = arith.constant 16 : index
    %get3A_1112 = tpu.vector_load %arg5[%get3A_1110, %get3A_1111] {strides = array<i32>} : memref<128x32xf32, #tpu.memory_space<vmem>>, vector<1x16xf32>,
    %get3A_1113 = vector.shape_cast %get3A_1112 : vector<1x16xf32> to vector<16xf32>
    %add3A_1114 = arith.addf %add3A_1108, %get3A_1113 : vector<16xf32>
    %get3A_1115 = arith.constant 57 : i32
    %get3A_1116 = arith.index_cast %get3A_1115 : i32 to index
    %get3A_1117 = arith.constant 16 : index
    %get3A_1118 = tpu.vector_load %arg5[%get3A_1116, %get3A_1117] {strides = array<i32>} : memref<128x32xf32, #tpu.memory_space<vmem>>, vector<1x16xf32>,
    %get3A_1119 = vector.shape_cast %get3A_1118 : vector<1x16xf32> to vector<16xf32>
    %add3A_1120 = arith.addf %add3A_1114, %get3A_1119 : vector<16xf32>
    %get3A_1121 = arith.constant 58 : i32
    %get3A_1122 = arith.index_cast %get3A_1121 : i32 to index
    %get3A_1123 = arith.constant 16 : index
    %get3A_1124 = tpu.vector_load %arg5[%get3A_1122, %get3A_1123] {strides = array<i32>} : memref<128x32xf32, #tpu.memory_space<vmem>>, vector<1x16xf32>,
    %get3A_1125 = vector.shape_cast %get3A_1124 : vector<1x16xf32> to vector<16xf32>
    %add3A_1126 = arith.addf %add3A_1120, %get3A_1125 : vector<16xf32>
    %get3A_1127 = arith.constant 59 : i32
    %get3A_1128 = arith.index_cast %get3A_1127 : i32 to index
    %get3A_1129 = arith.constant 16 : index
    %get3A_1130 = tpu.vector_load %arg5[%get3A_1128, %get3A_1129] {strides = array<i32>} : memref<128x32xf32, #tpu.memory_space<vmem>>, vector<1x16xf32>,
    %get3A_1131 = vector.shape_cast %get3A_1130 : vector<1x16xf32> to vector<16xf32>
    %add3A_1132 = arith.addf %add3A_1126, %get3A_1131 : vector<16xf32>
    %get3A_1133 = arith.constant 60 : i32
    %get3A_1134 = arith.index_cast %get3A_1133 : i32 to index
    %get3A_1135 = arith.constant 16 : index
    %get3A_1136 = tpu.vector_load %arg5[%get3A_1134, %get3A_1135] {strides = array<i32>} : memref<128x32xf32, #tpu.memory_space<vmem>>, vector<1x16xf32>,
    %get3A_1137 = vector.shape_cast %get3A_1136 : vector<1x16xf32> to vector<16xf32>
    %add3A_1138 = arith.addf %add3A_1132, %get3A_1137 : vector<16xf32>
    %get3A_1139 = arith.constant 61 : i32
    %get3A_1140 = arith.index_cast %get3A_1139 : i32 to index
    %get3A_1141 = arith.constant 16 : index
    %get3A_1142 = tpu.vector_load %arg5[%get3A_1140, %get3A_1141] {strides = array<i32>} : memref<128x32xf32, #tpu.memory_space<vmem>>, vector<1x16xf32>,
    %get3A_1143 = vector.shape_cast %get3A_1142 : vector<1x16xf32> to vector<16xf32>
    %add3A_1144 = arith.addf %add3A_1138, %get3A_1143 : vector<16xf32>
    %get3A_1145 = arith.constant 62 : i32
    %get3A_1146 = arith.index_cast %get3A_1145 : i32 to index
    %get3A_1147 = arith.constant 16 : index
    %get3A_1148 = tpu.vector_load %arg5[%get3A_1146, %get3A_1147] {strides = array<i32>} : memref<128x32xf32, #tpu.memory_space<vmem>>, vector<1x16xf32>,
    %get3A_1149 = vector.shape_cast %get3A_1148 : vector<1x16xf32> to vector<16xf32>
    %add3A_1150 = arith.addf %add3A_1144, %get3A_1149 : vector<16xf32>
    %get3A_1151 = arith.constant 63 : i32
    %get3A_1152 = arith.index_cast %get3A_1151 : i32 to index
    %get3A_1153 = arith.constant 16 : index
    %get3A_1154 = tpu.vector_load %arg5[%get3A_1152, %get3A_1153] {strides = array<i32>} : memref<128x32xf32, #tpu.memory_space<vmem>>, vector<1x16xf32>,
    %get3A_1155 = vector.shape_cast %get3A_1154 : vector<1x16xf32> to vector<16xf32>
    %add3A_1156 = arith.addf %add3A_1150, %get3A_1155 : vector<16xf32>
    %get3A_1157 = arith.constant 64 : i32
    %get3A_1158 = arith.index_cast %get3A_1157 : i32 to index
    %get3A_1159 = arith.constant 16 : index
    %get3A_1160 = tpu.vector_load %arg5[%get3A_1158, %get3A_1159] {strides = array<i32>} : memref<128x32xf32, #tpu.memory_space<vmem>>, vector<1x16xf32>,
    %get3A_1161 = vector.shape_cast %get3A_1160 : vector<1x16xf32> to vector<16xf32>
    %add3A_1162 = arith.addf %add3A_1156, %get3A_1161 : vector<16xf32>
    %get3A_1163 = arith.constant 65 : i32
    %get3A_1164 = arith.index_cast %get3A_1163 : i32 to index
    %get3A_1165 = arith.constant 16 : index
    %get3A_1166 = tpu.vector_load %arg5[%get3A_1164, %get3A_1165] {strides = array<i32>} : memref<128x32xf32, #tpu.memory_space<vmem>>, vector<1x16xf32>,
    %get3A_1167 = vector.shape_cast %get3A_1166 : vector<1x16xf32> to vector<16xf32>
    %add3A_1168 = arith.addf %add3A_1162, %get3A_1167 : vector<16xf32>
    %get3A_1169 = arith.constant 66 : i32
    %get3A_1170 = arith.index_cast %get3A_1169 : i32 to index
    %get3A_1171 = arith.constant 16 : index
    %get3A_1172 = tpu.vector_load %arg5[%get3A_1170, %get3A_1171] {strides = array<i32>} : memref<128x32xf32, #tpu.memory_space<vmem>>, vector<1x16xf32>,
    %get3A_1173 = vector.shape_cast %get3A_1172 : vector<1x16xf32> to vector<16xf32>
    %add3A_1174 = arith.addf %add3A_1168, %get3A_1173 : vector<16xf32>
    %get3A_1175 = arith.constant 67 : i32
    %get3A_1176 = arith.index_cast %get3A_1175 : i32 to index
    %get3A_1177 = arith.constant 16 : index
    %get3A_1178 = tpu.vector_load %arg5[%get3A_1176, %get3A_1177] {strides = array<i32>} : memref<128x32xf32, #tpu.memory_space<vmem>>, vector<1x16xf32>,
    %get3A_1179 = vector.shape_cast %get3A_1178 : vector<1x16xf32> to vector<16xf32>
    %add3A_1180 = arith.addf %add3A_1174, %get3A_1179 : vector<16xf32>
    %get3A_1181 = arith.constant 68 : i32
    %get3A_1182 = arith.index_cast %get3A_1181 : i32 to index
    %get3A_1183 = arith.constant 16 : index
    %get3A_1184 = tpu.vector_load %arg5[%get3A_1182, %get3A_1183] {strides = array<i32>} : memref<128x32xf32, #tpu.memory_space<vmem>>, vector<1x16xf32>,
    %get3A_1185 = vector.shape_cast %get3A_1184 : vector<1x16xf32> to vector<16xf32>
    %add3A_1186 = arith.addf %add3A_1180, %get3A_1185 : vector<16xf32>
    %get3A_1187 = arith.constant 69 : i32
    %get3A_1188 = arith.index_cast %get3A_1187 : i32 to index
    %get3A_1189 = arith.constant 16 : index
    %get3A_1190 = tpu.vector_load %arg5[%get3A_1188, %get3A_1189] {strides = array<i32>} : memref<128x32xf32, #tpu.memory_space<vmem>>, vector<1x16xf32>,
    %get3A_1191 = vector.shape_cast %get3A_1190 : vector<1x16xf32> to vector<16xf32>
    %add3A_1192 = arith.addf %add3A_1186, %get3A_1191 : vector<16xf32>
    %get3A_1193 = arith.constant 70 : i32
    %get3A_1194 = arith.index_cast %get3A_1193 : i32 to index
    %get3A_1195 = arith.constant 16 : index
    %get3A_1196 = tpu.vector_load %arg5[%get3A_1194, %get3A_1195] {strides = array<i32>} : memref<128x32xf32, #tpu.memory_space<vmem>>, vector<1x16xf32>,
    %get3A_1197 = vector.shape_cast %get3A_1196 : vector<1x16xf32> to vector<16xf32>
    %add3A_1198 = arith.addf %add3A_1192, %get3A_1197 : vector<16xf32>
    %get3A_1199 = arith.constant 71 : i32
    %get3A_1200 = arith.index_cast %get3A_1199 : i32 to index
    %get3A_1201 = arith.constant 16 : index
    %get3A_1202 = tpu.vector_load %arg5[%get3A_1200, %get3A_1201] {strides = array<i32>} : memref<128x32xf32, #tpu.memory_space<vmem>>, vector<1x16xf32>,
    %get3A_1203 = vector.shape_cast %get3A_1202 : vector<1x16xf32> to vector<16xf32>
    %add3A_1204 = arith.addf %add3A_1198, %get3A_1203 : vector<16xf32>
    %get3A_1205 = arith.constant 72 : i32
    %get3A_1206 = arith.index_cast %get3A_1205 : i32 to index
    %get3A_1207 = arith.constant 16 : index
    %get3A_1208 = tpu.vector_load %arg5[%get3A_1206, %get3A_1207] {strides = array<i32>} : memref<128x32xf32, #tpu.memory_space<vmem>>, vector<1x16xf32>,
    %get3A_1209 = vector.shape_cast %get3A_1208 : vector<1x16xf32> to vector<16xf32>
    %add3A_1210 = arith.addf %add3A_1204, %get3A_1209 : vector<16xf32>
    %get3A_1211 = arith.constant 73 : i32
    %get3A_1212 = arith.index_cast %get3A_1211 : i32 to index
    %get3A_1213 = arith.constant 16 : index
    %get3A_1214 = tpu.vector_load %arg5[%get3A_1212, %get3A_1213] {strides = array<i32>} : memref<128x32xf32, #tpu.memory_space<vmem>>, vector<1x16xf32>,
    %get3A_1215 = vector.shape_cast %get3A_1214 : vector<1x16xf32> to vector<16xf32>
    %add3A_1216 = arith.addf %add3A_1210, %get3A_1215 : vector<16xf32>
    %get3A_1217 = arith.constant 74 : i32
    %get3A_1218 = arith.index_cast %get3A_1217 : i32 to index
    %get3A_1219 = arith.constant 16 : index
    %get3A_1220 = tpu.vector_load %arg5[%get3A_1218, %get3A_1219] {strides = array<i32>} : memref<128x32xf32, #tpu.memory_space<vmem>>, vector<1x16xf32>,
    %get3A_1221 = vector.shape_cast %get3A_1220 : vector<1x16xf32> to vector<16xf32>
    %add3A_1222 = arith.addf %add3A_1216, %get3A_1221 : vector<16xf32>
    %get3A_1223 = arith.constant 75 : i32
    %get3A_1224 = arith.index_cast %get3A_1223 : i32 to index
    %get3A_1225 = arith.constant 16 : index
    %get3A_1226 = tpu.vector_load %arg5[%get3A_1224, %get3A_1225] {strides = array<i32>} : memref<128x32xf32, #tpu.memory_space<vmem>>, vector<1x16xf32>,
    %get3A_1227 = vector.shape_cast %get3A_1226 : vector<1x16xf32> to vector<16xf32>
    %add3A_1228 = arith.addf %add3A_1222, %get3A_1227 : vector<16xf32>
    %get3A_1229 = arith.constant 76 : i32
    %get3A_1230 = arith.index_cast %get3A_1229 : i32 to index
    %get3A_1231 = arith.constant 16 : index
    %get3A_1232 = tpu.vector_load %arg5[%get3A_1230, %get3A_1231] {strides = array<i32>} : memref<128x32xf32, #tpu.memory_space<vmem>>, vector<1x16xf32>,
    %get3A_1233 = vector.shape_cast %get3A_1232 : vector<1x16xf32> to vector<16xf32>
    %add3A_1234 = arith.addf %add3A_1228, %get3A_1233 : vector<16xf32>
    %get3A_1235 = arith.constant 77 : i32
    %get3A_1236 = arith.index_cast %get3A_1235 : i32 to index
    %get3A_1237 = arith.constant 16 : index
    %get3A_1238 = tpu.vector_load %arg5[%get3A_1236, %get3A_1237] {strides = array<i32>} : memref<128x32xf32, #tpu.memory_space<vmem>>, vector<1x16xf32>,
    %get3A_1239 = vector.shape_cast %get3A_1238 : vector<1x16xf32> to vector<16xf32>
    %add3A_1240 = arith.addf %add3A_1234, %get3A_1239 : vector<16xf32>
    %get3A_1241 = arith.constant 78 : i32
    %get3A_1242 = arith.index_cast %get3A_1241 : i32 to index
    %get3A_1243 = arith.constant 16 : index
    %get3A_1244 = tpu.vector_load %arg5[%get3A_1242, %get3A_1243] {strides = array<i32>} : memref<128x32xf32, #tpu.memory_space<vmem>>, vector<1x16xf32>,
    %get3A_1245 = vector.shape_cast %get3A_1244 : vector<1x16xf32> to vector<16xf32>
    %add3A_1246 = arith.addf %add3A_1240, %get3A_1245 : vector<16xf32>
    %get3A_1247 = arith.constant 79 : i32
    %get3A_1248 = arith.index_cast %get3A_1247 : i32 to index
    %get3A_1249 = arith.constant 16 : index
    %get3A_1250 = tpu.vector_load %arg5[%get3A_1248, %get3A_1249] {strides = array<i32>} : memref<128x32xf32, #tpu.memory_space<vmem>>, vector<1x16xf32>,
    %get3A_1251 = vector.shape_cast %get3A_1250 : vector<1x16xf32> to vector<16xf32>
    %add3A_1252 = arith.addf %add3A_1246, %get3A_1251 : vector<16xf32>
    %get3A_1253 = arith.constant 80 : i32
    %get3A_1254 = arith.index_cast %get3A_1253 : i32 to index
    %get3A_1255 = arith.constant 16 : index
    %get3A_1256 = tpu.vector_load %arg5[%get3A_1254, %get3A_1255] {strides = array<i32>} : memref<128x32xf32, #tpu.memory_space<vmem>>, vector<1x16xf32>,
    %get3A_1257 = vector.shape_cast %get3A_1256 : vector<1x16xf32> to vector<16xf32>
    %add3A_1258 = arith.addf %add3A_1252, %get3A_1257 : vector<16xf32>
    %get3A_1259 = arith.constant 81 : i32
    %get3A_1260 = arith.index_cast %get3A_1259 : i32 to index
    %get3A_1261 = arith.constant 16 : index
    %get3A_1262 = tpu.vector_load %arg5[%get3A_1260, %get3A_1261] {strides = array<i32>} : memref<128x32xf32, #tpu.memory_space<vmem>>, vector<1x16xf32>,
    %get3A_1263 = vector.shape_cast %get3A_1262 : vector<1x16xf32> to vector<16xf32>
    %add3A_1264 = arith.addf %add3A_1258, %get3A_1263 : vector<16xf32>
    %get3A_1265 = arith.constant 82 : i32
    %get3A_1266 = arith.index_cast %get3A_1265 : i32 to index
    %get3A_1267 = arith.constant 16 : index
    %get3A_1268 = tpu.vector_load %arg5[%get3A_1266, %get3A_1267] {strides = array<i32>} : memref<128x32xf32, #tpu.memory_space<vmem>>, vector<1x16xf32>,
    %get3A_1269 = vector.shape_cast %get3A_1268 : vector<1x16xf32> to vector<16xf32>
    %add3A_1270 = arith.addf %add3A_1264, %get3A_1269 : vector<16xf32>
    %get3A_1271 = arith.constant 83 : i32
    %get3A_1272 = arith.index_cast %get3A_1271 : i32 to index
    %get3A_1273 = arith.constant 16 : index
    %get3A_1274 = tpu.vector_load %arg5[%get3A_1272, %get3A_1273] {strides = array<i32>} : memref<128x32xf32, #tpu.memory_space<vmem>>, vector<1x16xf32>,
    %get3A_1275 = vector.shape_cast %get3A_1274 : vector<1x16xf32> to vector<16xf32>
    %add3A_1276 = arith.addf %add3A_1270, %get3A_1275 : vector<16xf32>
    %get3A_1277 = arith.constant 84 : i32
    %get3A_1278 = arith.index_cast %get3A_1277 : i32 to index
    %get3A_1279 = arith.constant 16 : index
    %get3A_1280 = tpu.vector_load %arg5[%get3A_1278, %get3A_1279] {strides = array<i32>} : memref<128x32xf32, #tpu.memory_space<vmem>>, vector<1x16xf32>,
    %get3A_1281 = vector.shape_cast %get3A_1280 : vector<1x16xf32> to vector<16xf32>
    %add3A_1282 = arith.addf %add3A_1276, %get3A_1281 : vector<16xf32>
    %get3A_1283 = arith.constant 85 : i32
    %get3A_1284 = arith.index_cast %get3A_1283 : i32 to index
    %get3A_1285 = arith.constant 16 : index
    %get3A_1286 = tpu.vector_load %arg5[%get3A_1284, %get3A_1285] {strides = array<i32>} : memref<128x32xf32, #tpu.memory_space<vmem>>, vector<1x16xf32>,
    %get3A_1287 = vector.shape_cast %get3A_1286 : vector<1x16xf32> to vector<16xf32>
    %add3A_1288 = arith.addf %add3A_1282, %get3A_1287 : vector<16xf32>
    %get3A_1289 = arith.constant 86 : i32
    %get3A_1290 = arith.index_cast %get3A_1289 : i32 to index
    %get3A_1291 = arith.constant 16 : index
    %get3A_1292 = tpu.vector_load %arg5[%get3A_1290, %get3A_1291] {strides = array<i32>} : memref<128x32xf32, #tpu.memory_space<vmem>>, vector<1x16xf32>,
    %get3A_1293 = vector.shape_cast %get3A_1292 : vector<1x16xf32> to vector<16xf32>
    %add3A_1294 = arith.addf %add3A_1288, %get3A_1293 : vector<16xf32>
    %get3A_1295 = arith.constant 87 : i32
    %get3A_1296 = arith.index_cast %get3A_1295 : i32 to index
    %get3A_1297 = arith.constant 16 : index
    %get3A_1298 = tpu.vector_load %arg5[%get3A_1296, %get3A_1297] {strides = array<i32>} : memref<128x32xf32, #tpu.memory_space<vmem>>, vector<1x16xf32>,
    %get3A_1299 = vector.shape_cast %get3A_1298 : vector<1x16xf32> to vector<16xf32>
    %add3A_1300 = arith.addf %add3A_1294, %get3A_1299 : vector<16xf32>
    %get3A_1301 = arith.constant 88 : i32
    %get3A_1302 = arith.index_cast %get3A_1301 : i32 to index
    %get3A_1303 = arith.constant 16 : index
    %get3A_1304 = tpu.vector_load %arg5[%get3A_1302, %get3A_1303] {strides = array<i32>} : memref<128x32xf32, #tpu.memory_space<vmem>>, vector<1x16xf32>,
    %get3A_1305 = vector.shape_cast %get3A_1304 : vector<1x16xf32> to vector<16xf32>
    %add3A_1306 = arith.addf %add3A_1300, %get3A_1305 : vector<16xf32>
    %get3A_1307 = arith.constant 89 : i32
    %get3A_1308 = arith.index_cast %get3A_1307 : i32 to index
    %get3A_1309 = arith.constant 16 : index
    %get3A_1310 = tpu.vector_load %arg5[%get3A_1308, %get3A_1309] {strides = array<i32>} : memref<128x32xf32, #tpu.memory_space<vmem>>, vector<1x16xf32>,
    %get3A_1311 = vector.shape_cast %get3A_1310 : vector<1x16xf32> to vector<16xf32>
    %add3A_1312 = arith.addf %add3A_1306, %get3A_1311 : vector<16xf32>
    %get3A_1313 = arith.constant 90 : i32
    %get3A_1314 = arith.index_cast %get3A_1313 : i32 to index
    %get3A_1315 = arith.constant 16 : index
    %get3A_1316 = tpu.vector_load %arg5[%get3A_1314, %get3A_1315] {strides = array<i32>} : memref<128x32xf32, #tpu.memory_space<vmem>>, vector<1x16xf32>,
    %get3A_1317 = vector.shape_cast %get3A_1316 : vector<1x16xf32> to vector<16xf32>
    %add3A_1318 = arith.addf %add3A_1312, %get3A_1317 : vector<16xf32>
    %get3A_1319 = arith.constant 91 : i32
    %get3A_1320 = arith.index_cast %get3A_1319 : i32 to index
    %get3A_1321 = arith.constant 16 : index
    %get3A_1322 = tpu.vector_load %arg5[%get3A_1320, %get3A_1321] {strides = array<i32>} : memref<128x32xf32, #tpu.memory_space<vmem>>, vector<1x16xf32>,
    %get3A_1323 = vector.shape_cast %get3A_1322 : vector<1x16xf32> to vector<16xf32>
    %add3A_1324 = arith.addf %add3A_1318, %get3A_1323 : vector<16xf32>
    %get3A_1325 = arith.constant 92 : i32
    %get3A_1326 = arith.index_cast %get3A_1325 : i32 to index
    %get3A_1327 = arith.constant 16 : index
    %get3A_1328 = tpu.vector_load %arg5[%get3A_1326, %get3A_1327] {strides = array<i32>} : memref<128x32xf32, #tpu.memory_space<vmem>>, vector<1x16xf32>,
    %get3A_1329 = vector.shape_cast %get3A_1328 : vector<1x16xf32> to vector<16xf32>
    %add3A_1330 = arith.addf %add3A_1324, %get3A_1329 : vector<16xf32>
    %get3A_1331 = arith.constant 93 : i32
    %get3A_1332 = arith.index_cast %get3A_1331 : i32 to index
    %get3A_1333 = arith.constant 16 : index
    %get3A_1334 = tpu.vector_load %arg5[%get3A_1332, %get3A_1333] {strides = array<i32>} : memref<128x32xf32, #tpu.memory_space<vmem>>, vector<1x16xf32>,
    %get3A_1335 = vector.shape_cast %get3A_1334 : vector<1x16xf32> to vector<16xf32>
    %add3A_1336 = arith.addf %add3A_1330, %get3A_1335 : vector<16xf32>
    %get3A_1337 = arith.constant 94 : i32
    %get3A_1338 = arith.index_cast %get3A_1337 : i32 to index
    %get3A_1339 = arith.constant 16 : index
    %get3A_1340 = tpu.vector_load %arg5[%get3A_1338, %get3A_1339] {strides = array<i32>} : memref<128x32xf32, #tpu.memory_space<vmem>>, vector<1x16xf32>,
    %get3A_1341 = vector.shape_cast %get3A_1340 : vector<1x16xf32> to vector<16xf32>
    %add3A_1342 = arith.addf %add3A_1336, %get3A_1341 : vector<16xf32>
    %get3A_1343 = arith.constant 95 : i32
    %get3A_1344 = arith.index_cast %get3A_1343 : i32 to index
    %get3A_1345 = arith.constant 16 : index
    %get3A_1346 = tpu.vector_load %arg5[%get3A_1344, %get3A_1345] {strides = array<i32>} : memref<128x32xf32, #tpu.memory_space<vmem>>, vector<1x16xf32>,
    %get3A_1347 = vector.shape_cast %get3A_1346 : vector<1x16xf32> to vector<16xf32>
    %add3A_1348 = arith.addf %add3A_1342, %get3A_1347 : vector<16xf32>
    %get3A_1349 = arith.constant 96 : i32
    %get3A_1350 = arith.index_cast %get3A_1349 : i32 to index
    %get3A_1351 = arith.constant 16 : index
    %get3A_1352 = tpu.vector_load %arg5[%get3A_1350, %get3A_1351] {strides = array<i32>} : memref<128x32xf32, #tpu.memory_space<vmem>>, vector<1x16xf32>,
    %get3A_1353 = vector.shape_cast %get3A_1352 : vector<1x16xf32> to vector<16xf32>
    %add3A_1354 = arith.addf %add3A_1348, %get3A_1353 : vector<16xf32>
    %get3A_1355 = arith.constant 97 : i32
    %get3A_1356 = arith.index_cast %get3A_1355 : i32 to index
    %get3A_1357 = arith.constant 16 : index
    %get3A_1358 = tpu.vector_load %arg5[%get3A_1356, %get3A_1357] {strides = array<i32>} : memref<128x32xf32, #tpu.memory_space<vmem>>, vector<1x16xf32>,
    %get3A_1359 = vector.shape_cast %get3A_1358 : vector<1x16xf32> to vector<16xf32>
    %add3A_1360 = arith.addf %add3A_1354, %get3A_1359 : vector<16xf32>
    %get3A_1361 = arith.constant 98 : i32
    %get3A_1362 = arith.index_cast %get3A_1361 : i32 to index
    %get3A_1363 = arith.constant 16 : index
    %get3A_1364 = tpu.vector_load %arg5[%get3A_1362, %get3A_1363] {strides = array<i32>} : memref<128x32xf32, #tpu.memory_space<vmem>>, vector<1x16xf32>,
    %get3A_1365 = vector.shape_cast %get3A_1364 : vector<1x16xf32> to vector<16xf32>
    %add3A_1366 = arith.addf %add3A_1360, %get3A_1365 : vector<16xf32>
    %get3A_1367 = arith.constant 99 : i32
    %get3A_1368 = arith.index_cast %get3A_1367 : i32 to index
    %get3A_1369 = arith.constant 16 : index
    %get3A_1370 = tpu.vector_load %arg5[%get3A_1368, %get3A_1369] {strides = array<i32>} : memref<128x32xf32, #tpu.memory_space<vmem>>, vector<1x16xf32>,
    %get3A_1371 = vector.shape_cast %get3A_1370 : vector<1x16xf32> to vector<16xf32>
    %add3A_1372 = arith.addf %add3A_1366, %get3A_1371 : vector<16xf32>
    %get3A_1373 = arith.constant 100 : i32
    %get3A_1374 = arith.index_cast %get3A_1373 : i32 to index
    %get3A_1375 = arith.constant 16 : index
    %get3A_1376 = tpu.vector_load %arg5[%get3A_1374, %get3A_1375] {strides = array<i32>} : memref<128x32xf32, #tpu.memory_space<vmem>>, vector<1x16xf32>,
    %get3A_1377 = vector.shape_cast %get3A_1376 : vector<1x16xf32> to vector<16xf32>
    %add3A_1378 = arith.addf %add3A_1372, %get3A_1377 : vector<16xf32>
    %get3A_1379 = arith.constant 101 : i32
    %get3A_1380 = arith.index_cast %get3A_1379 : i32 to index
    %get3A_1381 = arith.constant 16 : index
    %get3A_1382 = tpu.vector_load %arg5[%get3A_1380, %get3A_1381] {strides = array<i32>} : memref<128x32xf32, #tpu.memory_space<vmem>>, vector<1x16xf32>,
    %get3A_1383 = vector.shape_cast %get3A_1382 : vector<1x16xf32> to vector<16xf32>
    %add3A_1384 = arith.addf %add3A_1378, %get3A_1383 : vector<16xf32>
    %get3A_1385 = arith.constant 102 : i32
    %get3A_1386 = arith.index_cast %get3A_1385 : i32 to index
    %get3A_1387 = arith.constant 16 : index
    %get3A_1388 = tpu.vector_load %arg5[%get3A_1386, %get3A_1387] {strides = array<i32>} : memref<128x32xf32, #tpu.memory_space<vmem>>, vector<1x16xf32>,
    %get3A_1389 = vector.shape_cast %get3A_1388 : vector<1x16xf32> to vector<16xf32>
    %add3A_1390 = arith.addf %add3A_1384, %get3A_1389 : vector<16xf32>
    %get3A_1391 = arith.constant 103 : i32
    %get3A_1392 = arith.index_cast %get3A_1391 : i32 to index
    %get3A_1393 = arith.constant 16 : index
    %get3A_1394 = tpu.vector_load %arg5[%get3A_1392, %get3A_1393] {strides = array<i32>} : memref<128x32xf32, #tpu.memory_space<vmem>>, vector<1x16xf32>,
    %get3A_1395 = vector.shape_cast %get3A_1394 : vector<1x16xf32> to vector<16xf32>
    %add3A_1396 = arith.addf %add3A_1390, %get3A_1395 : vector<16xf32>
    %get3A_1397 = arith.constant 104 : i32
    %get3A_1398 = arith.index_cast %get3A_1397 : i32 to index
    %get3A_1399 = arith.constant 16 : index
    %get3A_1400 = tpu.vector_load %arg5[%get3A_1398, %get3A_1399] {strides = array<i32>} : memref<128x32xf32, #tpu.memory_space<vmem>>, vector<1x16xf32>,
    %get3A_1401 = vector.shape_cast %get3A_1400 : vector<1x16xf32> to vector<16xf32>
    %add3A_1402 = arith.addf %add3A_1396, %get3A_1401 : vector<16xf32>
    %get3A_1403 = arith.constant 105 : i32
    %get3A_1404 = arith.index_cast %get3A_1403 : i32 to index
    %get3A_1405 = arith.constant 16 : index
    %get3A_1406 = tpu.vector_load %arg5[%get3A_1404, %get3A_1405] {strides = array<i32>} : memref<128x32xf32, #tpu.memory_space<vmem>>, vector<1x16xf32>,
    %get3A_1407 = vector.shape_cast %get3A_1406 : vector<1x16xf32> to vector<16xf32>
    %add3A_1408 = arith.addf %add3A_1402, %get3A_1407 : vector<16xf32>
    %get3A_1409 = arith.constant 106 : i32
    %get3A_1410 = arith.index_cast %get3A_1409 : i32 to index
    %get3A_1411 = arith.constant 16 : index
    %get3A_1412 = tpu.vector_load %arg5[%get3A_1410, %get3A_1411] {strides = array<i32>} : memref<128x32xf32, #tpu.memory_space<vmem>>, vector<1x16xf32>,
    %get3A_1413 = vector.shape_cast %get3A_1412 : vector<1x16xf32> to vector<16xf32>
    %add3A_1414 = arith.addf %add3A_1408, %get3A_1413 : vector<16xf32>
    %get3A_1415 = arith.constant 107 : i32
    %get3A_1416 = arith.index_cast %get3A_1415 : i32 to index
    %get3A_1417 = arith.constant 16 : index
    %get3A_1418 = tpu.vector_load %arg5[%get3A_1416, %get3A_1417] {strides = array<i32>} : memref<128x32xf32, #tpu.memory_space<vmem>>, vector<1x16xf32>,
    %get3A_1419 = vector.shape_cast %get3A_1418 : vector<1x16xf32> to vector<16xf32>
    %add3A_1420 = arith.addf %add3A_1414, %get3A_1419 : vector<16xf32>
    %get3A_1421 = arith.constant 108 : i32
    %get3A_1422 = arith.index_cast %get3A_1421 : i32 to index
    %get3A_1423 = arith.constant 16 : index
    %get3A_1424 = tpu.vector_load %arg5[%get3A_1422, %get3A_1423] {strides = array<i32>} : memref<128x32xf32, #tpu.memory_space<vmem>>, vector<1x16xf32>,
    %get3A_1425 = vector.shape_cast %get3A_1424 : vector<1x16xf32> to vector<16xf32>
    %add3A_1426 = arith.addf %add3A_1420, %get3A_1425 : vector<16xf32>
    %get3A_1427 = arith.constant 109 : i32
    %get3A_1428 = arith.index_cast %get3A_1427 : i32 to index
    %get3A_1429 = arith.constant 16 : index
    %get3A_1430 = tpu.vector_load %arg5[%get3A_1428, %get3A_1429] {strides = array<i32>} : memref<128x32xf32, #tpu.memory_space<vmem>>, vector<1x16xf32>,
    %get3A_1431 = vector.shape_cast %get3A_1430 : vector<1x16xf32> to vector<16xf32>
    %add3A_1432 = arith.addf %add3A_1426, %get3A_1431 : vector<16xf32>
    %get3A_1433 = arith.constant 110 : i32
    %get3A_1434 = arith.index_cast %get3A_1433 : i32 to index
    %get3A_1435 = arith.constant 16 : index
    %get3A_1436 = tpu.vector_load %arg5[%get3A_1434, %get3A_1435] {strides = array<i32>} : memref<128x32xf32, #tpu.memory_space<vmem>>, vector<1x16xf32>,
    %get3A_1437 = vector.shape_cast %get3A_1436 : vector<1x16xf32> to vector<16xf32>
    %add3A_1438 = arith.addf %add3A_1432, %get3A_1437 : vector<16xf32>
    %get3A_1439 = arith.constant 111 : i32
    %get3A_1440 = arith.index_cast %get3A_1439 : i32 to index
    %get3A_1441 = arith.constant 16 : index
    %get3A_1442 = tpu.vector_load %arg5[%get3A_1440, %get3A_1441] {strides = array<i32>} : memref<128x32xf32, #tpu.memory_space<vmem>>, vector<1x16xf32>,
    %get3A_1443 = vector.shape_cast %get3A_1442 : vector<1x16xf32> to vector<16xf32>
    %add3A_1444 = arith.addf %add3A_1438, %get3A_1443 : vector<16xf32>
    %get3A_1445 = arith.constant 112 : i32
    %get3A_1446 = arith.index_cast %get3A_1445 : i32 to index
    %get3A_1447 = arith.constant 16 : index
    %get3A_1448 = tpu.vector_load %arg5[%get3A_1446, %get3A_1447] {strides = array<i32>} : memref<128x32xf32, #tpu.memory_space<vmem>>, vector<1x16xf32>,
    %get3A_1449 = vector.shape_cast %get3A_1448 : vector<1x16xf32> to vector<16xf32>
    %add3A_1450 = arith.addf %add3A_1444, %get3A_1449 : vector<16xf32>
    %get3A_1451 = arith.constant 113 : i32
    %get3A_1452 = arith.index_cast %get3A_1451 : i32 to index
    %get3A_1453 = arith.constant 16 : index
    %get3A_1454 = tpu.vector_load %arg5[%get3A_1452, %get3A_1453] {strides = array<i32>} : memref<128x32xf32, #tpu.memory_space<vmem>>, vector<1x16xf32>,
    %get3A_1455 = vector.shape_cast %get3A_1454 : vector<1x16xf32> to vector<16xf32>
    %add3A_1456 = arith.addf %add3A_1450, %get3A_1455 : vector<16xf32>
    %get3A_1457 = arith.constant 114 : i32
    %get3A_1458 = arith.index_cast %get3A_1457 : i32 to index
    %get3A_1459 = arith.constant 16 : index
    %get3A_1460 = tpu.vector_load %arg5[%get3A_1458, %get3A_1459] {strides = array<i32>} : memref<128x32xf32, #tpu.memory_space<vmem>>, vector<1x16xf32>,
    %get3A_1461 = vector.shape_cast %get3A_1460 : vector<1x16xf32> to vector<16xf32>
    %add3A_1462 = arith.addf %add3A_1456, %get3A_1461 : vector<16xf32>
    %get3A_1463 = arith.constant 115 : i32
    %get3A_1464 = arith.index_cast %get3A_1463 : i32 to index
    %get3A_1465 = arith.constant 16 : index
    %get3A_1466 = tpu.vector_load %arg5[%get3A_1464, %get3A_1465] {strides = array<i32>} : memref<128x32xf32, #tpu.memory_space<vmem>>, vector<1x16xf32>,
    %get3A_1467 = vector.shape_cast %get3A_1466 : vector<1x16xf32> to vector<16xf32>
    %add3A_1468 = arith.addf %add3A_1462, %get3A_1467 : vector<16xf32>
    %get3A_1469 = arith.constant 116 : i32
    %get3A_1470 = arith.index_cast %get3A_1469 : i32 to index
    %get3A_1471 = arith.constant 16 : index
    %get3A_1472 = tpu.vector_load %arg5[%get3A_1470, %get3A_1471] {strides = array<i32>} : memref<128x32xf32, #tpu.memory_space<vmem>>, vector<1x16xf32>,
    %get3A_1473 = vector.shape_cast %get3A_1472 : vector<1x16xf32> to vector<16xf32>
    %add3A_1474 = arith.addf %add3A_1468, %get3A_1473 : vector<16xf32>
    %get3A_1475 = arith.constant 117 : i32
    %get3A_1476 = arith.index_cast %get3A_1475 : i32 to index
    %get3A_1477 = arith.constant 16 : index
    %get3A_1478 = tpu.vector_load %arg5[%get3A_1476, %get3A_1477] {strides = array<i32>} : memref<128x32xf32, #tpu.memory_space<vmem>>, vector<1x16xf32>,
    %get3A_1479 = vector.shape_cast %get3A_1478 : vector<1x16xf32> to vector<16xf32>
    %add3A_1480 = arith.addf %add3A_1474, %get3A_1479 : vector<16xf32>
    %get3A_1481 = arith.constant 118 : i32
    %get3A_1482 = arith.index_cast %get3A_1481 : i32 to index
    %get3A_1483 = arith.constant 16 : index
    %get3A_1484 = tpu.vector_load %arg5[%get3A_1482, %get3A_1483] {strides = array<i32>} : memref<128x32xf32, #tpu.memory_space<vmem>>, vector<1x16xf32>,
    %get3A_1485 = vector.shape_cast %get3A_1484 : vector<1x16xf32> to vector<16xf32>
    %add3A_1486 = arith.addf %add3A_1480, %get3A_1485 : vector<16xf32>
    %get3A_1487 = arith.constant 119 : i32
    %get3A_1488 = arith.index_cast %get3A_1487 : i32 to index
    %get3A_1489 = arith.constant 16 : index
    %get3A_1490 = tpu.vector_load %arg5[%get3A_1488, %get3A_1489] {strides = array<i32>} : memref<128x32xf32, #tpu.memory_space<vmem>>, vector<1x16xf32>,
    %get3A_1491 = vector.shape_cast %get3A_1490 : vector<1x16xf32> to vector<16xf32>
    %add3A_1492 = arith.addf %add3A_1486, %get3A_1491 : vector<16xf32>
    %get3A_1493 = arith.constant 120 : i32
    %get3A_1494 = arith.index_cast %get3A_1493 : i32 to index
    %get3A_1495 = arith.constant 16 : index
    %get3A_1496 = tpu.vector_load %arg5[%get3A_1494, %get3A_1495] {strides = array<i32>} : memref<128x32xf32, #tpu.memory_space<vmem>>, vector<1x16xf32>,
    %get3A_1497 = vector.shape_cast %get3A_1496 : vector<1x16xf32> to vector<16xf32>
    %add3A_1498 = arith.addf %add3A_1492, %get3A_1497 : vector<16xf32>
    %get3A_1499 = arith.constant 121 : i32
    %get3A_1500 = arith.index_cast %get3A_1499 : i32 to index
    %get3A_1501 = arith.constant 16 : index
    %get3A_1502 = tpu.vector_load %arg5[%get3A_1500, %get3A_1501] {strides = array<i32>} : memref<128x32xf32, #tpu.memory_space<vmem>>, vector<1x16xf32>,
    %get3A_1503 = vector.shape_cast %get3A_1502 : vector<1x16xf32> to vector<16xf32>
    %add3A_1504 = arith.addf %add3A_1498, %get3A_1503 : vector<16xf32>
    %get3A_1505 = arith.constant 122 : i32
    %get3A_1506 = arith.index_cast %get3A_1505 : i32 to index
    %get3A_1507 = arith.constant 16 : index
    %get3A_1508 = tpu.vector_load %arg5[%get3A_1506, %get3A_1507] {strides = array<i32>} : memref<128x32xf32, #tpu.memory_space<vmem>>, vector<1x16xf32>,
    %get3A_1509 = vector.shape_cast %get3A_1508 : vector<1x16xf32> to vector<16xf32>
    %add3A_1510 = arith.addf %add3A_1504, %get3A_1509 : vector<16xf32>
    %get3A_1511 = arith.constant 123 : i32
    %get3A_1512 = arith.index_cast %get3A_1511 : i32 to index
    %get3A_1513 = arith.constant 16 : index
    %get3A_1514 = tpu.vector_load %arg5[%get3A_1512, %get3A_1513] {strides = array<i32>} : memref<128x32xf32, #tpu.memory_space<vmem>>, vector<1x16xf32>,
    %get3A_1515 = vector.shape_cast %get3A_1514 : vector<1x16xf32> to vector<16xf32>
    %add3A_1516 = arith.addf %add3A_1510, %get3A_1515 : vector<16xf32>
    %get3A_1517 = arith.constant 124 : i32
    %get3A_1518 = arith.index_cast %get3A_1517 : i32 to index
    %get3A_1519 = arith.constant 16 : index
    %get3A_1520 = tpu.vector_load %arg5[%get3A_1518, %get3A_1519] {strides = array<i32>} : memref<128x32xf32, #tpu.memory_space<vmem>>, vector<1x16xf32>,
    %get3A_1521 = vector.shape_cast %get3A_1520 : vector<1x16xf32> to vector<16xf32>
    %add3A_1522 = arith.addf %add3A_1516, %get3A_1521 : vector<16xf32>
    %get3A_1523 = arith.constant 125 : i32
    %get3A_1524 = arith.index_cast %get3A_1523 : i32 to index
    %get3A_1525 = arith.constant 16 : index
    %get3A_1526 = tpu.vector_load %arg5[%get3A_1524, %get3A_1525] {strides = array<i32>} : memref<128x32xf32, #tpu.memory_space<vmem>>, vector<1x16xf32>,
    %get3A_1527 = vector.shape_cast %get3A_1526 : vector<1x16xf32> to vector<16xf32>
    %add3A_1528 = arith.addf %add3A_1522, %get3A_1527 : vector<16xf32>
    %get3A_1529 = arith.constant 126 : i32
    %get3A_1530 = arith.index_cast %get3A_1529 : i32 to index
    %get3A_1531 = arith.constant 16 : index
    %get3A_1532 = tpu.vector_load %arg5[%get3A_1530, %get3A_1531] {strides = array<i32>} : memref<128x32xf32, #tpu.memory_space<vmem>>, vector<1x16xf32>,
    %get3A_1533 = vector.shape_cast %get3A_1532 : vector<1x16xf32> to vector<16xf32>
    %add3A_1534 = arith.addf %add3A_1528, %get3A_1533 : vector<16xf32>
    %get3A_1535 = arith.constant 127 : i32
    %get3A_1536 = arith.index_cast %get3A_1535 : i32 to index
    %get3A_1537 = arith.constant 16 : index
    %get3A_1538 = tpu.vector_load %arg5[%get3A_1536, %get3A_1537] {strides = array<i32>} : memref<128x32xf32, #tpu.memory_space<vmem>>, vector<1x16xf32>,
    %get3A_1539 = vector.shape_cast %get3A_1538 : vector<1x16xf32> to vector<16xf32>
    %add3A_1540 = arith.addf %add3A_1534, %get3A_1539 : vector<16xf32>
    %scan3A = arith.constant 0 : i32
    %scan3A_1541 = arith.constant 0 : i32
    %scan3A_1542 = arith.constant 256 : i32
    %scan3A_1543 = arith.addi %scan3A_1541, %scan3A_1542 : i32
    %scan3A_1544 = arith.constant 1 : i32
    scf.for %scan3A_1546 = %scan3A_1541 to %scan3A_1543 step %scan3A_1544  : i32 {
      %get3A_1547 = arith.index_cast %scan3A_1546 : i32 to index
      %get3A_1548 = arith.constant 0 : index
      %get3A_1549 = tpu.vector_load %arg6[%get3A_1547, %get3A_1548] {strides = array<i32>} : memref<256x32xi32, #tpu.memory_space<vmem>>, vector<1x16xi32>,
      %get3A_1550 = vector.shape_cast %get3A_1549 : vector<1x16xi32> to vector<16xi32>
      %convert_element_type3A = arith.sitofp %get3A_1550 : vector<16xi32> to vector<16xf32>
      %mul3A_1551 = arith.constant 2.000000e+00 : f32
      %mul3A_1552 = vector.broadcast %mul3A_1551 : f32 to vector<16xf32>
      %mul3A_1553 = arith.mulf %convert_element_type3A, %mul3A_1552 : vector<16xf32>
      %sub3A = arith.constant 1.000000e+00 : f32
      %sub3A_1554 = vector.broadcast %sub3A : f32 to vector<16xf32>
      %sub3A_1555 = arith.subf %mul3A_1553, %sub3A_1554 : vector<16xf32>
      %mul3A_1556 = arith.mulf %sub3A_1555, %add3A_770 : vector<16xf32>
      %swap3A = arith.index_cast %scan3A_1546 : i32 to index
      %swap3A_1557 = arith.constant 0 : index
      %swap3A_1558 = tpu.vector_load %arg7[%swap3A, %swap3A_1557] {strides = array<i32>} : memref<256x32xf32, #tpu.memory_space<vmem>>, vector<1x16xf32>,
      %swap3A_1559 = vector.shape_cast %swap3A_1558 : vector<1x16xf32> to vector<16xf32>
      %swap3A_1560 = vector.shape_cast %mul3A_1556 : vector<16xf32> to vector<1x16xf32>
      tpu.vector_store %arg7[%swap3A, %swap3A_1557], %swap3A_1560 {strides = array<i32>} : memref<256x32xf32, #tpu.memory_space<vmem>>, vector<1x16xf32>,
      %get3A_1561 = arith.index_cast %scan3A_1546 : i32 to index
      %get3A_1562 = arith.constant 16 : index
      %get3A_1563 = tpu.vector_load %arg6[%get3A_1561, %get3A_1562] {strides = array<i32>} : memref<256x32xi32, #tpu.memory_space<vmem>>, vector<1x16xi32>,
      %get3A_1564 = vector.shape_cast %get3A_1563 : vector<1x16xi32> to vector<16xi32>
      %convert_element_type3A_1565 = arith.sitofp %get3A_1564 : vector<16xi32> to vector<16xf32>
      %mul3A_1566 = arith.constant 2.000000e+00 : f32
      %mul3A_1567 = vector.broadcast %mul3A_1566 : f32 to vector<16xf32>
      %mul3A_1568 = arith.mulf %convert_element_type3A_1565, %mul3A_1567 : vector<16xf32>
      %sub3A_1569 = arith.constant 1.000000e+00 : f32
      %sub3A_1570 = vector.broadcast %sub3A_1569 : f32 to vector<16xf32>
      %sub3A_1571 = arith.subf %mul3A_1568, %sub3A_1570 : vector<16xf32>
      %mul3A_1572 = arith.mulf %sub3A_1571, %add3A_1540 : vector<16xf32>
      %swap3A_1573 = arith.index_cast %scan3A_1546 : i32 to index
      %swap3A_1574 = arith.constant 16 : index
      %swap3A_1575 = tpu.vector_load %arg7[%swap3A_1573, %swap3A_1574] {strides = array<i32>} : memref<256x32xf32, #tpu.memory_space<vmem>>, vector<1x16xf32>,
      %swap3A_1576 = vector.shape_cast %swap3A_1575 : vector<1x16xf32> to vector<16xf32>
      %swap3A_1577 = vector.shape_cast %mul3A_1572 : vector<16xf32> to vector<1x16xf32>
      tpu.vector_store %arg7[%swap3A_1573, %swap3A_1574], %swap3A_1577 {strides = array<i32>} : memref<256x32xf32, #tpu.memory_space<vmem>>, vector<1x16xf32>,
    }
    %scan3A_1545 = arith.constant 256 : i32
    "tpu.region"() ({
      %run_scoped3A = tpu.sem_alloc : memref<!tpu.dma_semaphore, #tpu.memory_space<semaphore_mem>>
      %dma_start3A = arith.constant 0 : i32
      %dma_start3A_1546 = tpu.memref_slice %arg4[%mul3A_2, %dma_start3A] : memref<8192x32xf32, #tpu.memory_space<hbm>> -> memref<256x32xf32, #tpu.memory_space<hbm>>
      %dma_start3A_1547 = arith.constant 0 : i32
      %dma_start3A_1548 = tpu.memref_slice %arg4[%mul3A_2, %dma_start3A_1547] : memref<8192x32xf32, #tpu.memory_space<hbm>> -> memref<256x32xf32, #tpu.memory_space<hbm>>
      tpu.enqueue_dma source(%arg7 : memref<256x32xf32, #tpu.memory_space<vmem>>) target(%dma_start3A_1548 : memref<256x32xf32, #tpu.memory_space<hbm>>) target_semaphore(%run_scoped3A : memref<!tpu.dma_semaphore, #tpu.memory_space<semaphore_mem>>)
      %dma_wait3A = arith.constant 0 : i32
      %dma_wait3A_1549 = tpu.memref_slice %arg4[%mul3A_2, %dma_wait3A] : memref<8192x32xf32, #tpu.memory_space<hbm>> -> memref<256x32xf32, #tpu.memory_space<hbm>>
      %dma_wait3A_1550 = arith.constant 0 : i32
      %dma_wait3A_1551 = tpu.memref_slice %arg4[%mul3A_2, %dma_wait3A_1550] : memref<8192x32xf32, #tpu.memory_space<hbm>> -> memref<256x32xf32, #tpu.memory_space<hbm>>
      tpu.wait_dma2 semaphore(%run_scoped3A : memref<!tpu.dma_semaphore, #tpu.memory_space<semaphore_mem>>) src(%arg7 : memref<256x32xf32, #tpu.memory_space<vmem>>) dst(%dma_wait3A_1551 : memref<256x32xf32, #tpu.memory_space<hbm>>)
      tpu.yield
    }) : () -> ()
    return
  }
}

module attributes {stable_mosaic.version = 14 : i64} {
  func.func @_tc_body(%arg0: i32, %arg1: memref<512x32xi32, #tpu.memory_space<vmem>>, %arg2: memref<32x128xf32, #tpu.memory_space<vmem>>, %arg3: memref<512x32x128xf32, #tpu.memory_space<vmem>>) attributes {dimension_semantics = [#tpu.dimension_semantics<arbitrary>], iteration_bounds = array<i64: 16>, scalar_prefetch = 0 : i64, scratch_operands = 0 : i64, tpu.core_type = #tpu.core_type<tc>, window_params = [{transform_indices = @transform_0, window_bounds = array<i64: 512, 32>}, {pipeline_mode = #tpu.pipeline_mode<synchronous>, transform_indices = @transform_1, window_bounds = array<i64: 32, 128>}, {transform_indices = @transform_2, window_bounds = array<i64: 512, 32, 128>}]} {
    %get3A = arith.constant 0 : index
    %get3A_0 = arith.constant 0 : index
    %get3A_1 = vector.load %arg1[%get3A, %get3A_0] : memref<512x32xi32, #tpu.memory_space<vmem>>, vector<512x32xi32>
    %convert_element_type3A = arith.sitofp %get3A_1 : vector<512x32xi32> to vector<512x32xf32>
    %mul3A = arith.constant 2.000000e+00 : f32
    %mul3A_2 = vector.broadcast %mul3A : f32 to vector<512x32xf32>
    %mul3A_3 = arith.mulf %convert_element_type3A, %mul3A_2 : vector<512x32xf32>
    %sub3A = arith.constant 1.000000e+00 : f32
    %sub3A_4 = vector.broadcast %sub3A : f32 to vector<512x32xf32>
    %sub3A_5 = arith.subf %mul3A_3, %sub3A_4 : vector<512x32xf32>
    %get3A_6 = arith.constant 0 : index
    %get3A_7 = arith.constant 0 : index
    %get3A_8 = vector.load %arg2[%get3A_6, %get3A_7] : memref<32x128xf32, #tpu.memory_space<vmem>>, vector<32x128xf32>
    %broadcast_in_dim3A = vector.shape_cast %sub3A_5 : vector<512x32xf32> to vector<512x32x1xf32>
    %broadcast_in_dim3A_9 = vector.shape_cast %get3A_8 : vector<32x128xf32> to vector<1x32x128xf32>
    %mul3A_10 = vector.broadcast %broadcast_in_dim3A : vector<512x32x1xf32> to vector<512x32x128xf32>
    %mul3A_11 = vector.broadcast %broadcast_in_dim3A_9 : vector<1x32x128xf32> to vector<512x32x128xf32>
    %mul3A_12 = arith.mulf %mul3A_10, %mul3A_11 : vector<512x32x128xf32>
    %swap3A = arith.constant 0 : index
    %swap3A_13 = arith.constant 0 : index
    %swap3A_14 = arith.constant 0 : index
    %swap3A_15 = vector.load %arg3[%swap3A, %swap3A_13, %swap3A_14] : memref<512x32x128xf32, #tpu.memory_space<vmem>>, vector<512x32x128xf32>
    tpu.vector_store %arg3[%swap3A, %swap3A_13, %swap3A_14], %mul3A_12 {strides = array<i32>} : memref<512x32x128xf32, #tpu.memory_space<vmem>>, vector<512x32x128xf32>,
    return
  }
  func.func @transform_0(%arg0: i32) -> (i32, i32) {
    %c0_i32 = arith.constant 0 : i32
    %c0_i32_0 = arith.constant 0 : i32
    return %arg0, %c0_i32 : i32, i32
  }
  func.func @transform_1(%arg0: i32) -> (i32, i32) {
    %c0_i32 = arith.constant 0 : i32
    %c0_i32_0 = arith.constant 0 : i32
    %c0_i32_1 = arith.constant 0 : i32
    return %c0_i32, %c0_i32_0 : i32, i32
  }
  func.func @transform_2(%arg0: i32) -> (i32, i32, i32) {
    %c0_i32 = arith.constant 0 : i32
    %c0_i32_0 = arith.constant 0 : i32
    %c0_i32_1 = arith.constant 0 : i32
    return %arg0, %c0_i32, %c0_i32_0 : i32, i32, i32
  }
}

</mosaic_0001>

<sc_bundles>
// kernel: kernel.4.cloned.1.call-start
scs
__scs_entry_jumppad:
0x0: {  	(pc) =	sbr.rel $0x88, $3  }
0x1: {  	(tag) =	ssettag $0x0;
	lr =	simm.s32 $0x1  }
0x2: {  	[smem:$0x3F9F] =	sst lr;
	_ =	strace $0xD0000000  }
0x3: {  	_ = 	snop  }
0x4: {  	_ = 	snop  }
0x5: {  	_ = 	snop  }
0x6: {  	_ = 	snop  }
0x7: {  	_ = 	snop  }
__scs_overlays_trampoline_lowered:
0x8: {  	[smem:$0x3FAE] =	sst s0  }
0x9: {  	[smem:$0x3FAF] =	sst s1  }
0xa: {  	[smem:$0x3FB0] =	sst s2  }
0xb: {  	[smem:$0x3FB1] =	sst s3  }
0xc: {  	[smem:$0x3FB2] =	sst s4  }
0xd: {  	[smem:$0x3FB3] =	sst s5  }
0xe: {  	[smem:$0x3FB4] =	sst s6  }
0xf: {  	[smem:$0x3FB5] =	sst s7  }
0x10: {  	[smem:$0x3FB6] =	sst s8  }
0x11: {  	[smem:$0x3FB7] =	sst s9;
	s0 =	simm.s32 @!p0 $0x0  }
0x12: {  	s1 =	sld [smem:$0x3F9D];
	s0 =	simm.s32 @p0 $0x1  }
0x13: {  	[smem:$0x3FB8] =	sst s0;
	s0 =	simm.s32 @!p1 $0x0  }
0x14: {  	s2 =	sld [smem:$0x3F9C];
	s0 =	simm.s32 @p1 $0x1  }
0x15: {  	[smem:$0x3FB9] =	sst s0;
	s0 =	simm.s32 @!p2 $0x0  }
0x16: {  	s3 =	sld [smem:$0x3FDB];
	s0 =	simm.s32 @p2 $0x1  }
0x17: {  	s4 =	simm.s32 $0x1BF5;
	[smem:$0x3FBB] =	sst s0  }
0x18: {  	s0 =	sld [smem:$0x3F9E];
	_ =	swait.ge [sflag:s4], $0x0  }
0x19: {  	s7 =	sld [smem:$0x3F9F]  }
0x1a: {  	s8 =	sadd.s32 $0xFFFFE003, lr  }
0x1b: {  	s9 =	sadd.s32 $0xFFFFFEF7, lr;
	s5 =	simm.s32 $0xFFFFFFFF;
	p2 =	slt.u32 s8, $0xFFFFF086  }
0x1c: {  	p1 =	slt.u32 s9, $0xF7A;
	s5 =	simm.s32 @!p2 $0x0  }
0x1d: {  	s5 =	simm.s32 @p1 $0x1;
	p0 =	seq.s32 s7, s2  }
0x1e: {  	s7 =	smul.u32 @!p0 $0xF7A, s2;
	p2 =	seq.s32 @!p0 s5, $0x0  }
0x1f: {  	s9 =	smul.u32 $0xF7A, s1;
	s8 =	simm.s32 @!p0 $0x1BF5;
	p2 =	por !p2, p0  }
0x20: {  	[sflag:s8] =	ssyncset.s32 @!p0 $0xFFFFF086;
	s6 =	sadd.s32 @!p0 s3, s7;
	s7 =	simm.s32 @!p0 $0x108  }
0x21: {  	s3 =	sadd.s32 s3, s9;
	s6 =	sadd.s32 @!p0 $0x88, s6;
	s7 =	simm.s32 @p2 $0x1082  }
0x22: {  	[simem:s7], [sflag:s8] =	dma.local @!p0 [hbm:s6], $0xF7A  }
0x23: {  	s9 =	sor.u32 $0xD0000000, s2;
	s6 =	simm.s32 $0x108;
	_ =	swait.ge @!p0 [sflag:s8], $0x0  }
0x24: {  	s3 =	sadd.s32 $0x88, s3;
	s6 =	simm.s32 @!p1 $0x1082;
	[sflag:s4] =	ssyncset.s32 $0xFFFFF086  }
0x25: {  	[simem:s6], [sflag:s4] =	dma.local [hbm:s3], $0xF7A  }
0x26: {  	[smem:$0x3F9F] =	sst s1;
	(tag) =	ssettag s2;
	_ =	strace s9  }
0x27: {  	s1 =	sld [smem:$0x3FAF]  }
0x28: {  	s2 =	sld [smem:$0x3FB0]  }
0x29: {  	s4 =	sld [smem:$0x3FB2]  }
0x2a: {  	p0 =	seq.s32 s5, $0x0;
	s5 =	sld [smem:$0x3FB3]  }
0x2b: {  	s6 =	sld [smem:$0x3FB4]  }
0x2c: {  	s7 =	sld [smem:$0x3FB5]  }
0x2d: {  	s3 =	simm.s32 $0x108;
	s8 =	sld [smem:$0x3FB6]  }
0x2e: {  	s3 =	simm.s32 @!p0 $0x1082;
	s9 =	sld [smem:$0x3FB7]  }
0x2f: {  	lr =	sadd.s32 s0, s3;
	s0 =	sld [smem:$0x3FAE]  }
0x30: {  	s3 =	sld [smem:$0x3FB1]  }
0x31: {  	[smem:$0x3FBA] =	sst s10  }
0x32: {  	s10 =	sld [smem:$0x3FB8];
	_ =	sdelay $0x3  }
0x33: {  	p0 =	seq.s32 s10, $0x1;
	s10 =	sld [smem:$0x3FBA];
	_ =	sdelay $0x3  }
0x34: {  	[smem:$0x3FBA] =	sst s10  }
0x35: {  	s10 =	sld [smem:$0x3FB9];
	_ =	sdelay $0x3  }
0x36: {  	p1 =	seq.s32 s10, $0x1;
	s10 =	sld [smem:$0x3FBA];
	_ =	sdelay $0x3  }
0x37: {  	[smem:$0x3FBA] =	sst s10  }
0x38: {  	s10 =	sld [smem:$0x3FBB]  }
0x39: {  	_ = 	snop;
	(pc) =	sbr.ind lr, $3  }
0x3a: {  	_ = 	snop  }
0x3b: {  	_ = 	snop  }
0x3c: {  	p2 =	seq.s32 s10, $0x1;
	s10 =	sld [smem:$0x3FBA]  }
0x3d: {  	_ =	shalt  }
0x3e: {  	_ =	shalt  }
0x3f: {  	_ =	shalt  }
0x40: {  	_ =	shalt  }
0x41: {  	_ =	shalt  }
0x42: {  	_ =	shalt  }
0x43: {  	_ =	shalt  }
0x44: {  	_ =	shalt  }
0x45: {  	_ =	shalt  }
0x46: {  	_ =	shalt  }
0x47: {  	_ =	shalt  }
0x48: {  	_ =	shalt  }
0x49: {  	_ =	shalt  }
0x4a: {  	_ =	shalt  }
0x4b: {  	_ =	shalt  }
0x4c: {  	_ =	shalt  }
0x4d: {  	_ =	shalt  }
0x4e: {  	_ =	shalt  }
0x4f: {  	_ =	shalt  }
0x50: {  	_ =	shalt  }
0x51: {  	_ =	shalt  }
0x52: {  	_ =	shalt  }
0x53: {  	_ =	shalt  }
0x54: {  	_ =	shalt  }
0x55: {  	_ =	shalt  }
0x56: {  	_ =	shalt  }
0x57: {  	_ =	shalt  }
0x58: {  	_ =	shalt  }
0x59: {  	_ =	shalt  }
0x5a: {  	_ =	shalt  }
0x5b: {  	_ =	shalt  }
0x5c: {  	_ =	shalt  }
0x5d: {  	_ =	shalt  }
0x5e: {  	_ =	shalt  }
0x5f: {  	_ =	shalt  }
0x60: {  	_ =	shalt  }
0x61: {  	_ =	shalt  }
0x62: {  	_ =	shalt  }
0x63: {  	_ =	shalt  }
0x64: {  	_ =	shalt  }
0x65: {  	_ =	shalt  }
0x66: {  	_ =	shalt  }
0x67: {  	_ =	shalt  }
0x68: {  	_ =	shalt  }
0x69: {  	_ =	shalt  }
0x6a: {  	_ =	shalt  }
0x6b: {  	_ =	shalt  }
0x6c: {  	_ =	shalt  }
0x6d: {  	_ =	shalt  }
0x6e: {  	_ =	shalt  }
0x6f: {  	_ =	shalt  }
0x70: {  	_ =	shalt  }
0x71: {  	_ =	shalt  }
0x72: {  	_ =	shalt  }
0x73: {  	_ =	shalt  }
0x74: {  	_ =	shalt  }
0x75: {  	_ =	shalt  }
0x76: {  	_ =	shalt  }
0x77: {  	_ =	shalt  }
0x78: {  	_ =	shalt  }
0x79: {  	_ =	shalt  }
0x7a: {  	_ =	shalt  }
0x7b: {  	_ =	shalt  }
0x7c: {  	_ =	shalt  }
0x7d: {  	_ =	shalt  }
0x7e: {  	_ =	shalt  }
0x7f: {  	_ =	shalt  }
0x80: {  	_ =	shalt  }
0x81: {  	_ =	shalt  }
0x82: {  	_ =	shalt  }
0x83: {  	_ =	shalt  }
0x84: {  	_ =	shalt  }
0x85: {  	_ =	shalt  }
0x86: {  	_ =	shalt  }
0x87: {  	_ =	shalt  }
.Lfunc_end0:
.L_simem_size_0:
called_computation_lowered:
.L_overlay_start_0:
0x88: {  	s2 =	sld [smem:$0x3FD9]  }
0x89: {  	s3 =	sld [smem:$0x3FFE];
	_ =	sdelay $0x1  }
0x8a: {  	s1 =	srdreg.scid  }
0x8b: {  	s0 =	sand.u32 $0x1, s1  }
0x8c: {  	s14 =	sshll.u32 s0, $0xA;
	s2 =	sadd.s32 s3, s2  }
0x8d: {  	s2 =	sadd.s32 s2, s14  }
0x8e: {  	[smem:$0x3FC6] =	sst s2  }
0x8f: {  	_ = 	snop  }
0x90: {  	s2 =	sld [smem:$0x3FD0];
	_ =	sdelay $0x2  }
0x91: {  	s15 =	simm.s32 $0xA;
	s4 =	simm.s32 $0x10  }
0x92: {  	[smem:s4], [sflag:s15] =	dma.local [hbm:s2], $0x1  }
0x93: {  	_ =	swait.eq [sflag:s15], $0x1  }
0x94: {  	[sflag:s15] =	ssyncset.done $0x0  }
0x95: {  	[sflag:s15] =	ssyncadd.s32 $0xFFFFFFFF  }
0x96: {  	s16 =	sld [smem:$0x11];
	(tm) =	ssettm $0x1  }
0x97: {  	s17 =	sld [smem:$0x3FFB];
	_ =	sdelay $0x3  }
0x98: {  	_ =	strace s17  }
0x99: {  	s3 =	sld [smem:$0x3FFC];
	_ =	sdelay $0x3  }
0x9a: {  	_ =	strace s3  }
0x9b: {  	s3 =	sld [smem:$0x3FFD];
	_ =	sdelay $0x3  }
0x9c: {  	_ =	strace s3  }
0x9d: {  	_ =	strace $0x8FFFFFFF  }
0x9e: {  	s18 =	sld [smem:$0x3FDB];
	_ =	sdelay $0x1  }
0x9f: {  	s19 =	simm.s32 $_scs_section_size  }
0xa0: {  	s5 =	simm.s32 $_size__tile_overlayer_lowered;
	s6 =	simm.s32 $_tile_overlayer_lowered  }
0xa1: {  	s22 =	simm.s32 $0x1BFF;
	s21 =	sshll.u32 s6, $0x1;
	s3 =	sadd.s32 s19, s18  }
0xa2: {  	s7 =	simm.s32 $0x0;
	s20 =	sshll.u32 s5, $0x1;
	s5 =	sadd.s32 s21, s3  }
0xa3: {  	[timem:s7], [sflag:s22] =	dma.local [hbm:s5], s20  }
0xa4: {  	_ =	swait.ge [sflag:s22], s20  }
0xa5: {  	s4 =	ssub.s32 $0x0, s20;
	[sflag:s22] =	ssyncset.done $0x0  }
0xa6: {  	[sflag:s22] =	ssyncadd.s32 s4;
	_ =	sdelay $0x1  }
0xa7: {  	s23 =	simm.s32 $0x1B8B  }
0xa8: {  	_ =	swait.ge [sflag:s23], $0x1  }
0xa9: {  	[sflag:s23] =	ssyncset.done $0x0  }
0xaa: {  	s25 =	simm.s32 $0x1B8E;
	s24 =	sld [smem:$0x3FFE];
	[sflag:s23] =	ssyncadd.s32 $0xFFFFFFFF  }
0xab: {  	s26 =	simm.s32 $execute0_lowered;
	[smem:$0x3FD2] =	sst s25  }
0xac: {  	s5 =	sshll.u32 s26, $0x1;
	_ =	strace $0x80000046;
	[dreg:$0x1] =	wrdreg $0xFFFFFFFF  }
0xad: {  	s28 =	simm.s32 $_size_execute0_lowered;
	s3 =	sadd.s32 s3, s5;
	[dreg:$0x0] =	wrdreg $0x0  }
0xae: {  	s5 =	sshll.u32 s28, $0x1;
	[dreg:$0x2] =	wrdreg s3  }
0xaf: {  	[dreg:$0x3] =	wrdreg s5  }
0xb0: {  	[dreg:$0x4] =	wrdreg $0xC0  }
0xb1: {  	_ =	task [dreg:s7], $0x5FFFF  }
0xb2: {  	[dreg:$0x1] =	wrdreg $0xFFFFFFFF  }
0xb3: {  	[dreg:$0x0] =	wrdreg $0x60  }
0xb4: {  	[dreg:$0x2] =	wrdreg s24  }
0xb5: {  	[dreg:$0x3] =	wrdreg s16  }
0xb6: {  	[dreg:$0x4] =	wrdreg $0x9  }
0xb7: {  	_ =	task.clear_ibuf [dreg:s7], $0x5FFFF;
	_ =	strace $0x90000046  }
0xb8: {  	s29 =	simm.s32 $0x9;
	_ =	strace $0x80000048  }
0xb9: {  	_ =	swait.ge [sflag:s29], $0x1  }
0xba: {  	[sflag:s29] =	ssyncadd.s32 $0xFFFFFFFF  }
0xbb: {  	_ =	strace $0x90000048  }
0xbc: {  	_ =	sfence  }
0xbd: {  	s30 =	sld [smem:$0x0];
	_ =	sdelay $0x2  }
0xbe: {  	s31 =	sshll.u32 s1, $0xD;
	s1 =	sshrl.u32 s1, $0x2  }
0xbf: {  	s3 =	sand.u32 $0x4000, s31;
	s1 =	sadd.s32 s1, s30  }
0xc0: {  	s0 =	sor.u32 s3, s0;
	s1 =	sshll.u32 s1, $0x11  }
0xc1: {  	s0 =	sor.u32 s1, s0  }
0xc2: {  	s0 =	sadd.s32 $0x8F2B, s0  }
0xc3: {  	[sflag:s0] =	ssyncadd.remote.s32 $0x1  }
0xc4: {  	_ =	sfence.sel $0xFFFF  }
0xc5: {  	[dreg:$0x0] =	wrdreg $0xFFFFFFFF;
	(pc) =	sbr.abs _section_cstart, $3  }
0xc6: {  	[dreg:$0x1] =	wrdreg $0xFFFFFFFF  }
0xc7: {  	_ =	task.clear_ibuf [dreg:s7], $0x2FFFF;
	_ =	strace $0x9FFFFFFF  }
0xc8: {  	(tm) =	ssettm $0x7FFFFFFF  }
0xc9: {  	_ =	shalt  }
tec
execute0_lowered:
.L_overlay_start_1:
0x0: {  	(tag) =	ssettag $0x1  }
0x1: {  	s4 =	rddreg [dreg:$0x0];
	s0 =	srdreg.scid  }
0x2: {  	s2 =	rddreg [dreg:$0x1];
	s1 =	stileid.u32;
	s3 =	simm.s32 $0x0  }
0x3: {  	s8 =	simm.s32 $0x4000;
	s9 =	simm.s32 $0xC000;
	s10 =	simm.s32 $0x0  }
0x4: {  	s5 =	sand.u32 $0x1, s0;
	s0 =	rddreg [dreg:$0x2];
	s6 =	sshll.u32 s1, $0xD  }
0x5: {  	[smem:$0x7FF] =	sst s3;
	s7 =	sshll.u32 s5, $0xC;
	s5 =	ssub.s32 $0x2, s5  }
0x6: {  	_ =	strace $0x80000047;
	s6 =	sor.u32 s7, s6;
	s30 =	sshrl.u32 s5, $0x1  }
0x7: {  	s7 =	simm.s32 $0x1;
	s6 =	sadd.s32 s6, s4;
	s31 =	ssub.s32 s5, s30  }
0x8: {  	s4 =	sadd.s32 $0x800, s6;
	s5 =	sadd.s32 $0x20800, s6;
	s6 =	smax.u32 s31, $0x1  }
.LBB2_1:
0x9: {  	[tilespmem:s3], [sflag:$0x1] =	stream.linear.gather [hbm4b:s2+s3], $0x4000, $0x38;
	[tilespmem:$0x14000] =	vst v63  }
0xa: {  	_ =	swait.ge [sflag:s7], $0x4000  }
0xb: {  	[sflag:s7] =	ssyncset.done $0x0  }
0xc: {  	[sflag:s7] =	ssyncadd.s32 $0xFFFFC000  }
0xd: {  	[tilespmem:s8], [sflag:$0x1] =	stream.linear.gather [hbm4b:s4+s3], $0x8000, $0x38;
	[tilespmem:$0x14000] =	vst v63  }
0xe: {  	_ =	swait.ge [sflag:s7], $0x8000  }
0xf: {  	[sflag:s7] =	ssyncset.done $0x0  }
0x10: {  	[sflag:s7] =	ssyncadd.s32 $0xFFFF8000  }
0x11: {  	v0 =	vld [tilespmem:$0x0]  }
0x12: {  	v1 =	vld [tilespmem:$0x80]  }
0x13: {  	v2 =	vld [tilespmem:$0x100]  }
0x14: {  	v3 =	vld [tilespmem:$0x10]  }
0x15: {  	v4 =	vld [tilespmem:$0x180]  }
0x16: {  	v5 =	vld [tilespmem:$0x90]  }
0x17: {  	v6 =	vld [tilespmem:$0x200]  }
0x18: {  	v7 =	vld [tilespmem:$0x110]  }
0x19: {  	v8 =	vld [tilespmem:$0x280];
	v0 =	vadd.f32 $0.0e+00, v0;
	v3 =	vadd.f32 $0.0e+00, v3  }
0x1a: {  	v9 =	vld [tilespmem:$0x190]  }
0x1b: {  	v51 =	vld [tilespmem:$0x310];
	v0 =	vadd.f32 v1, v0;
	v3 =	vadd.f32 v5, v3  }
0x1c: {  	v5 =	vld [tilespmem:$0x210]  }
0x1d: {  	v52 =	vld [tilespmem:$0x500];
	v0 =	vadd.f32 v2, v0;
	v3 =	vadd.f32 v7, v3  }
0x1e: {  	v7 =	vld [tilespmem:$0x290]  }
0x1f: {  	v53 =	vld [tilespmem:$0x490];
	v0 =	vadd.f32 v4, v0;
	v3 =	vadd.f32 v9, v3  }
0x20: {  	v1 =	vld [tilespmem:$0x300]  }
0x21: {  	v2 =	vld [tilespmem:$0x380];
	v0 =	vadd.f32 v6, v0;
	v3 =	vadd.f32 v5, v3  }
0x22: {  	v5 =	vld [tilespmem:$0x390]  }
0x23: {  	v4 =	vld [tilespmem:$0x400];
	v0 =	vadd.f32 v8, v0;
	v3 =	vadd.f32 v7, v3  }
0x24: {  	v7 =	vld [tilespmem:$0x410]  }
0x25: {  	v54 =	vld [tilespmem:$0x610];
	v0 =	vadd.f32 v1, v0;
	v3 =	vadd.f32 v51, v3  }
0x26: {  	v6 =	vld [tilespmem:$0x480]  }
0x27: {  	v55 =	vld [tilespmem:$0x780];
	v0 =	vadd.f32 v2, v0;
	v3 =	vadd.f32 v5, v3  }
0x28: {  	v5 =	vld [tilespmem:$0x510]  }
0x29: {  	v1 =	vld [tilespmem:$0x580];
	v0 =	vadd.f32 v4, v0;
	v3 =	vadd.f32 v7, v3  }
0x2a: {  	v7 =	vld [tilespmem:$0x590]  }
0x2b: {  	v56 =	vld [tilespmem:$0x790];
	v0 =	vadd.f32 v6, v0;
	v3 =	vadd.f32 v53, v3  }
0x2c: {  	v2 =	vld [tilespmem:$0x600]  }
0x2d: {  	v4 =	vld [tilespmem:$0x680];
	v0 =	vadd.f32 v52, v0;
	v3 =	vadd.f32 v5, v3  }
0x2e: {  	v5 =	vld [tilespmem:$0x690]  }
0x2f: {  	v6 =	vld [tilespmem:$0x700];
	v0 =	vadd.f32 v1, v0;
	v3 =	vadd.f32 v7, v3  }
0x30: {  	v7 =	vld [tilespmem:$0x710]  }
0x31: {  	v57 =	vld [tilespmem:$0xA00];
	v0 =	vadd.f32 v2, v0;
	v3 =	vadd.f32 v54, v3  }
0x32: {  	v58 =	vld [tilespmem:$0x910]  }
0x33: {  	v1 =	vld [tilespmem:$0x800];
	v0 =	vadd.f32 v4, v0;
	v3 =	vadd.f32 v5, v3  }
0x34: {  	v5 =	vld [tilespmem:$0x810]  }
0x35: {  	v2 =	vld [tilespmem:$0x880];
	v0 =	vadd.f32 v6, v0;
	v3 =	vadd.f32 v7, v3  }
0x36: {  	v7 =	vld [tilespmem:$0x890]  }
0x37: {  	v59 =	vld [tilespmem:$0xA90];
	v0 =	vadd.f32 v55, v0;
	v3 =	vadd.f32 v56, v3  }
0x38: {  	v4 =	vld [tilespmem:$0x900]  }
0x39: {  	v6 =	vld [tilespmem:$0x980];
	v0 =	vadd.f32 v1, v0;
	v3 =	vadd.f32 v5, v3  }
0x3a: {  	v5 =	vld [tilespmem:$0x990]  }
0x3b: {  	v60 =	vld [tilespmem:$0xC80];
	v0 =	vadd.f32 v2, v0;
	v3 =	vadd.f32 v7, v3  }
0x3c: {  	v7 =	vld [tilespmem:$0xA10]  }
0x3d: {  	v61 =	vld [tilespmem:$0xC10];
	v0 =	vadd.f32 v4, v0;
	v3 =	vadd.f32 v58, v3  }
0x3e: {  	v1 =	vld [tilespmem:$0xA80]  }
0x3f: {  	v2 =	vld [tilespmem:$0xB00];
	v0 =	vadd.f32 v6, v0;
	v3 =	vadd.f32 v5, v3  }
0x40: {  	v5 =	vld [tilespmem:$0xB10]  }
0x41: {  	v4 =	vld [tilespmem:$0xB80];
	v0 =	vadd.f32 v57, v0;
	v3 =	vadd.f32 v7, v3  }
0x42: {  	v7 =	vld [tilespmem:$0xB90]  }
0x43: {  	v62 =	vld [tilespmem:$0xD90];
	v0 =	vadd.f32 v1, v0;
	v3 =	vadd.f32 v59, v3  }
0x44: {  	v6 =	vld [tilespmem:$0xC00]  }
0x45: {  	v63 =	vld [tilespmem:$0xF00];
	v0 =	vadd.f32 v2, v0;
	v3 =	vadd.f32 v5, v3  }
0x46: {  	v5 =	vld [tilespmem:$0xC90]  }
0x47: {  	v1 =	vld [tilespmem:$0xD00];
	v0 =	vadd.f32 v4, v0;
	v3 =	vadd.f32 v7, v3  }
0x48: {  	v7 =	vld [tilespmem:$0xD10]  }
0x49: {  	v12 =	vld [tilespmem:$0xF10];
	v0 =	vadd.f32 v6, v0;
	v3 =	vadd.f32 v61, v3  }
0x4a: {  	v2 =	vld [tilespmem:$0xD80]  }
0x4b: {  	v4 =	vld [tilespmem:$0xE00];
	v0 =	vadd.f32 v60, v0;
	v3 =	vadd.f32 v5, v3  }
0x4c: {  	v5 =	vld [tilespmem:$0xE10]  }
0x4d: {  	v6 =	vld [tilespmem:$0xE80];
	v0 =	vadd.f32 v1, v0;
	v3 =	vadd.f32 v7, v3  }
0x4e: {  	v7 =	vld [tilespmem:$0xE90]  }
0x4f: {  	v13 =	vld [tilespmem:$0x1180];
	v0 =	vadd.f32 v2, v0;
	v3 =	vadd.f32 v62, v3  }
0x50: {  	v14 =	vld [tilespmem:$0x1090]  }
0x51: {  	v1 =	vld [tilespmem:$0xF80];
	v0 =	vadd.f32 v4, v0;
	v3 =	vadd.f32 v5, v3  }
0x52: {  	v5 =	vld [tilespmem:$0xF90]  }
0x53: {  	v2 =	vld [tilespmem:$0x1000];
	v0 =	vadd.f32 v6, v0;
	v3 =	vadd.f32 v7, v3  }
0x54: {  	v7 =	vld [tilespmem:$0x1010]  }
0x55: {  	v15 =	vld [tilespmem:$0x1210];
	v0 =	vadd.f32 v63, v0;
	v3 =	vadd.f32 v12, v3  }
0x56: {  	v4 =	vld [tilespmem:$0x1080]  }
0x57: {  	v6 =	vld [tilespmem:$0x1100];
	v0 =	vadd.f32 v1, v0;
	v3 =	vadd.f32 v5, v3  }
0x58: {  	v5 =	vld [tilespmem:$0x1110]  }
0x59: {  	v16 =	vld [tilespmem:$0x1400];
	v0 =	vadd.f32 v2, v0;
	v3 =	vadd.f32 v7, v3  }
0x5a: {  	v7 =	vld [tilespmem:$0x1190]  }
0x5b: {  	v17 =	vld [tilespmem:$0x1390];
	v0 =	vadd.f32 v4, v0;
	v3 =	vadd.f32 v14, v3  }
0x5c: {  	v1 =	vld [tilespmem:$0x1200]  }
0x5d: {  	v2 =	vld [tilespmem:$0x1280];
	v0 =	vadd.f32 v6, v0;
	v3 =	vadd.f32 v5, v3  }
0x5e: {  	v5 =	vld [tilespmem:$0x1290]  }
0x5f: {  	v4 =	vld [tilespmem:$0x1300];
	v0 =	vadd.f32 v13, v0;
	v3 =	vadd.f32 v7, v3  }
0x60: {  	v7 =	vld [tilespmem:$0x1310]  }
0x61: {  	v18 =	vld [tilespmem:$0x1510];
	v0 =	vadd.f32 v1, v0;
	v3 =	vadd.f32 v15, v3  }
0x62: {  	v6 =	vld [tilespmem:$0x1380]  }
0x63: {  	v19 =	vld [tilespmem:$0x1680];
	v0 =	vadd.f32 v2, v0;
	v3 =	vadd.f32 v5, v3  }
0x64: {  	v5 =	vld [tilespmem:$0x1410]  }
0x65: {  	v1 =	vld [tilespmem:$0x1480];
	v0 =	vadd.f32 v4, v0;
	v3 =	vadd.f32 v7, v3  }
0x66: {  	v7 =	vld [tilespmem:$0x1490]  }
0x67: {  	v20 =	vld [tilespmem:$0x1690];
	v0 =	vadd.f32 v6, v0;
	v3 =	vadd.f32 v17, v3  }
0x68: {  	v2 =	vld [tilespmem:$0x1500]  }
0x69: {  	v4 =	vld [tilespmem:$0x1580];
	v0 =	vadd.f32 v16, v0;
	v3 =	vadd.f32 v5, v3  }
0x6a: {  	v5 =	vld [tilespmem:$0x1590]  }
0x6b: {  	v6 =	vld [tilespmem:$0x1600];
	v0 =	vadd.f32 v1, v0;
	v3 =	vadd.f32 v7, v3  }
0x6c: {  	v7 =	vld [tilespmem:$0x1610]  }
0x6d: {  	v21 =	vld [tilespmem:$0x1900];
	v0 =	vadd.f32 v2, v0;
	v3 =	vadd.f32 v18, v3  }
0x6e: {  	v22 =	vld [tilespmem:$0x1810]  }
0x6f: {  	v1 =	vld [tilespmem:$0x1700];
	v0 =	vadd.f32 v4, v0;
	v3 =	vadd.f32 v5, v3  }
0x70: {  	v5 =	vld [tilespmem:$0x1710]  }
0x71: {  	v2 =	vld [tilespmem:$0x1780];
	v0 =	vadd.f32 v6, v0;
	v3 =	vadd.f32 v7, v3  }
0x72: {  	v7 =	vld [tilespmem:$0x1790]  }
0x73: {  	v23 =	vld [tilespmem:$0x1990];
	v0 =	vadd.f32 v19, v0;
	v3 =	vadd.f32 v20, v3  }
0x74: {  	v4 =	vld [tilespmem:$0x1800]  }
0x75: {  	v6 =	vld [tilespmem:$0x1880];
	v0 =	vadd.f32 v1, v0;
	v3 =	vadd.f32 v5, v3  }
0x76: {  	v5 =	vld [tilespmem:$0x1890]  }
0x77: {  	v24 =	vld [tilespmem:$0x1B80];
	v0 =	vadd.f32 v2, v0;
	v3 =	vadd.f32 v7, v3  }
0x78: {  	v7 =	vld [tilespmem:$0x1910]  }
0x79: {  	v25 =	vld [tilespmem:$0x1B10];
	v0 =	vadd.f32 v4, v0;
	v3 =	vadd.f32 v22, v3  }
0x7a: {  	v1 =	vld [tilespmem:$0x1980]  }
0x7b: {  	v2 =	vld [tilespmem:$0x1A00];
	v0 =	vadd.f32 v6, v0;
	v3 =	vadd.f32 v5, v3  }
0x7c: {  	v5 =	vld [tilespmem:$0x1A10]  }
0x7d: {  	v4 =	vld [tilespmem:$0x1A80];
	v0 =	vadd.f32 v21, v0;
	v3 =	vadd.f32 v7, v3  }
0x7e: {  	v7 =	vld [tilespmem:$0x1A90]  }
0x7f: {  	v26 =	vld [tilespmem:$0x1C90];
	v0 =	vadd.f32 v1, v0;
	v3 =	vadd.f32 v23, v3  }
0x80: {  	v6 =	vld [tilespmem:$0x1B00]  }
0x81: {  	v27 =	vld [tilespmem:$0x1E00];
	v0 =	vadd.f32 v2, v0;
	v3 =	vadd.f32 v5, v3  }
0x82: {  	v5 =	vld [tilespmem:$0x1B90]  }
0x83: {  	v1 =	vld [tilespmem:$0x1C00];
	v0 =	vadd.f32 v4, v0;
	v3 =	vadd.f32 v7, v3  }
0x84: {  	v7 =	vld [tilespmem:$0x1C10]  }
0x85: {  	v28 =	vld [tilespmem:$0x1E10];
	v0 =	vadd.f32 v6, v0;
	v3 =	vadd.f32 v25, v3  }
0x86: {  	v2 =	vld [tilespmem:$0x1C80]  }
0x87: {  	v4 =	vld [tilespmem:$0x1D00];
	v0 =	vadd.f32 v24, v0;
	v3 =	vadd.f32 v5, v3  }
0x88: {  	v5 =	vld [tilespmem:$0x1D10]  }
0x89: {  	v6 =	vld [tilespmem:$0x1D80];
	v0 =	vadd.f32 v1, v0;
	v3 =	vadd.f32 v7, v3  }
0x8a: {  	v7 =	vld [tilespmem:$0x1D90]  }
0x8b: {  	v29 =	vld [tilespmem:$0x2080];
	v0 =	vadd.f32 v2, v0;
	v3 =	vadd.f32 v26, v3  }
0x8c: {  	v30 =	vld [tilespmem:$0x1F90]  }
0x8d: {  	v1 =	vld [tilespmem:$0x1E80];
	v0 =	vadd.f32 v4, v0;
	v3 =	vadd.f32 v5, v3  }
0x8e: {  	v5 =	vld [tilespmem:$0x1E90]  }
0x8f: {  	v2 =	vld [tilespmem:$0x1F00];
	v0 =	vadd.f32 v6, v0;
	v3 =	vadd.f32 v7, v3  }
0x90: {  	v7 =	vld [tilespmem:$0x1F10]  }
0x91: {  	v31 =	vld [tilespmem:$0x2110];
	v0 =	vadd.f32 v27, v0;
	v3 =	vadd.f32 v28, v3  }
0x92: {  	v4 =	vld [tilespmem:$0x1F80]  }
0x93: {  	v6 =	vld [tilespmem:$0x2000];
	v0 =	vadd.f32 v1, v0;
	v3 =	vadd.f32 v5, v3  }
0x94: {  	v5 =	vld [tilespmem:$0x2010]  }
0x95: {  	v32 =	vld [tilespmem:$0x2300];
	v0 =	vadd.f32 v2, v0;
	v3 =	vadd.f32 v7, v3  }
0x96: {  	v7 =	vld [tilespmem:$0x2090]  }
0x97: {  	v33 =	vld [tilespmem:$0x2290];
	v0 =	vadd.f32 v4, v0;
	v3 =	vadd.f32 v30, v3  }
0x98: {  	v1 =	vld [tilespmem:$0x2100]  }
0x99: {  	v2 =	vld [tilespmem:$0x2180];
	v0 =	vadd.f32 v6, v0;
	v3 =	vadd.f32 v5, v3  }
0x9a: {  	v5 =	vld [tilespmem:$0x2190]  }
0x9b: {  	v4 =	vld [tilespmem:$0x2200];
	v0 =	vadd.f32 v29, v0;
	v3 =	vadd.f32 v7, v3  }
0x9c: {  	v7 =	vld [tilespmem:$0x2210]  }
0x9d: {  	v34 =	vld [tilespmem:$0x2410];
	v0 =	vadd.f32 v1, v0;
	v3 =	vadd.f32 v31, v3  }
0x9e: {  	v6 =	vld [tilespmem:$0x2280]  }
0x9f: {  	v35 =	vld [tilespmem:$0x2580];
	v0 =	vadd.f32 v2, v0;
	v3 =	vadd.f32 v5, v3  }
0xa0: {  	v5 =	vld [tilespmem:$0x2310]  }
0xa1: {  	v1 =	vld [tilespmem:$0x2380];
	v0 =	vadd.f32 v4, v0;
	v3 =	vadd.f32 v7, v3  }
0xa2: {  	v7 =	vld [tilespmem:$0x2390]  }
0xa3: {  	v36 =	vld [tilespmem:$0x2590];
	v0 =	vadd.f32 v6, v0;
	v3 =	vadd.f32 v33, v3  }
0xa4: {  	v2 =	vld [tilespmem:$0x2400]  }
0xa5: {  	v4 =	vld [tilespmem:$0x2480];
	v0 =	vadd.f32 v32, v0;
	v3 =	vadd.f32 v5, v3  }
0xa6: {  	v5 =	vld [tilespmem:$0x2490]  }
0xa7: {  	v6 =	vld [tilespmem:$0x2500];
	v0 =	vadd.f32 v1, v0;
	v3 =	vadd.f32 v7, v3  }
0xa8: {  	v7 =	vld [tilespmem:$0x2510]  }
0xa9: {  	v37 =	vld [tilespmem:$0x2800];
	v0 =	vadd.f32 v2, v0;
	v3 =	vadd.f32 v34, v3  }
0xaa: {  	v38 =	vld [tilespmem:$0x2710]  }
0xab: {  	v1 =	vld [tilespmem:$0x2600];
	v0 =	vadd.f32 v4, v0;
	v3 =	vadd.f32 v5, v3  }
0xac: {  	v5 =	vld [tilespmem:$0x2610]  }
0xad: {  	v2 =	vld [tilespmem:$0x2680];
	v0 =	vadd.f32 v6, v0;
	v3 =	vadd.f32 v7, v3  }
0xae: {  	v7 =	vld [tilespmem:$0x2690]  }
0xaf: {  	v39 =	vld [tilespmem:$0x2890];
	v0 =	vadd.f32 v35, v0;
	v3 =	vadd.f32 v36, v3  }
0xb0: {  	v4 =	vld [tilespmem:$0x2700]  }
0xb1: {  	v6 =	vld [tilespmem:$0x2780];
	v0 =	vadd.f32 v1, v0;
	v3 =	vadd.f32 v5, v3  }
0xb2: {  	v5 =	vld [tilespmem:$0x2790]  }
0xb3: {  	v40 =	vld [tilespmem:$0x2A80];
	v0 =	vadd.f32 v2, v0;
	v3 =	vadd.f32 v7, v3  }
0xb4: {  	v7 =	vld [tilespmem:$0x2810]  }
0xb5: {  	v41 =	vld [tilespmem:$0x2A10];
	v0 =	vadd.f32 v4, v0;
	v3 =	vadd.f32 v38, v3  }
0xb6: {  	v1 =	vld [tilespmem:$0x2880]  }
0xb7: {  	v2 =	vld [tilespmem:$0x2900];
	v0 =	vadd.f32 v6, v0;
	v3 =	vadd.f32 v5, v3  }
0xb8: {  	v5 =	vld [tilespmem:$0x2910]  }
0xb9: {  	v4 =	vld [tilespmem:$0x2980];
	v0 =	vadd.f32 v37, v0;
	v3 =	vadd.f32 v7, v3  }
0xba: {  	v7 =	vld [tilespmem:$0x2990]  }
0xbb: {  	v42 =	vld [tilespmem:$0x2B90];
	v0 =	vadd.f32 v1, v0;
	v3 =	vadd.f32 v39, v3  }
0xbc: {  	v6 =	vld [tilespmem:$0x2A00]  }
0xbd: {  	v43 =	vld [tilespmem:$0x2D00];
	v0 =	vadd.f32 v2, v0;
	v3 =	vadd.f32 v5, v3  }
0xbe: {  	v5 =	vld [tilespmem:$0x2A90]  }
0xbf: {  	v1 =	vld [tilespmem:$0x2B00];
	v0 =	vadd.f32 v4, v0;
	v3 =	vadd.f32 v7, v3  }
0xc0: {  	v7 =	vld [tilespmem:$0x2B10]  }
0xc1: {  	v44 =	vld [tilespmem:$0x2D10];
	v0 =	vadd.f32 v6, v0;
	v3 =	vadd.f32 v41, v3  }
0xc2: {  	v2 =	vld [tilespmem:$0x2B80]  }
0xc3: {  	v4 =	vld [tilespmem:$0x2C00];
	v0 =	vadd.f32 v40, v0;
	v3 =	vadd.f32 v5, v3  }
0xc4: {  	v5 =	vld [tilespmem:$0x2C10]  }
0xc5: {  	v6 =	vld [tilespmem:$0x2C80];
	v0 =	vadd.f32 v1, v0;
	v3 =	vadd.f32 v7, v3  }
0xc6: {  	v7 =	vld [tilespmem:$0x2C90]  }
0xc7: {  	v45 =	vld [tilespmem:$0x2F80];
	v0 =	vadd.f32 v2, v0;
	v3 =	vadd.f32 v42, v3  }
0xc8: {  	v46 =	vld [tilespmem:$0x2E90]  }
0xc9: {  	v1 =	vld [tilespmem:$0x2D80];
	v0 =	vadd.f32 v4, v0;
	v3 =	vadd.f32 v5, v3  }
0xca: {  	v5 =	vld [tilespmem:$0x2D90]  }
0xcb: {  	v2 =	vld [tilespmem:$0x2E00];
	v0 =	vadd.f32 v6, v0;
	v3 =	vadd.f32 v7, v3  }
0xcc: {  	v7 =	vld [tilespmem:$0x2E10]  }
0xcd: {  	v47 =	vld [tilespmem:$0x3010];
	v0 =	vadd.f32 v43, v0;
	v3 =	vadd.f32 v44, v3  }
0xce: {  	v4 =	vld [tilespmem:$0x2E80]  }
0xcf: {  	v6 =	vld [tilespmem:$0x2F00];
	v0 =	vadd.f32 v1, v0;
	v3 =	vadd.f32 v5, v3  }
0xd0: {  	v5 =	vld [tilespmem:$0x2F10]  }
0xd1: {  	v48 =	vld [tilespmem:$0x3200];
	v0 =	vadd.f32 v2, v0;
	v3 =	vadd.f32 v7, v3  }
0xd2: {  	v7 =	vld [tilespmem:$0x2F90]  }
0xd3: {  	v49 =	vld [tilespmem:$0x3190];
	v0 =	vadd.f32 v4, v0;
	v3 =	vadd.f32 v46, v3  }
0xd4: {  	v1 =	vld [tilespmem:$0x3000]  }
0xd5: {  	v2 =	vld [tilespmem:$0x3080];
	v0 =	vadd.f32 v6, v0;
	v3 =	vadd.f32 v5, v3  }
0xd6: {  	v5 =	vld [tilespmem:$0x3090]  }
0xd7: {  	v4 =	vld [tilespmem:$0x3100];
	v0 =	vadd.f32 v45, v0;
	v3 =	vadd.f32 v7, v3  }
0xd8: {  	v7 =	vld [tilespmem:$0x3110]  }
0xd9: {  	v50 =	vld [tilespmem:$0x3310];
	v0 =	vadd.f32 v1, v0;
	v3 =	vadd.f32 v47, v3  }
0xda: {  	v6 =	vld [tilespmem:$0x3180]  }
0xdb: {  	v51 =	vld [tilespmem:$0x3480];
	v0 =	vadd.f32 v2, v0;
	v3 =	vadd.f32 v5, v3  }
0xdc: {  	v5 =	vld [tilespmem:$0x3210]  }
0xdd: {  	v1 =	vld [tilespmem:$0x3280];
	v0 =	vadd.f32 v4, v0;
	v3 =	vadd.f32 v7, v3  }
0xde: {  	v7 =	vld [tilespmem:$0x3290]  }
0xdf: {  	v53 =	vld [tilespmem:$0x3700];
	v0 =	vadd.f32 v6, v0;
	v3 =	vadd.f32 v49, v3  }
0xe0: {  	v2 =	vld [tilespmem:$0x3300]  }
0xe1: {  	v4 =	vld [tilespmem:$0x3380];
	v0 =	vadd.f32 v48, v0;
	v3 =	vadd.f32 v5, v3  }
0xe2: {  	v5 =	vld [tilespmem:$0x3390]  }
0xe3: {  	v6 =	vld [tilespmem:$0x3400];
	v0 =	vadd.f32 v1, v0;
	v3 =	vadd.f32 v7, v3  }
0xe4: {  	v7 =	vld [tilespmem:$0x3410]  }
0xe5: {  	v52 =	vld [tilespmem:$0x3490];
	v0 =	vadd.f32 v2, v0;
	v3 =	vadd.f32 v50, v3  }
0xe6: {  	v54 =	vld [tilespmem:$0x3610]  }
0xe7: {  	v1 =	vld [tilespmem:$0x3500];
	v0 =	vadd.f32 v4, v0;
	v3 =	vadd.f32 v5, v3  }
0xe8: {  	v5 =	vld [tilespmem:$0x3510]  }
0xe9: {  	v2 =	vld [tilespmem:$0x3580];
	v0 =	vadd.f32 v6, v0;
	v3 =	vadd.f32 v7, v3  }
0xea: {  	v7 =	vld [tilespmem:$0x3590]  }
0xeb: {  	v55 =	vld [tilespmem:$0x3790];
	v0 =	vadd.f32 v51, v0;
	v3 =	vadd.f32 v52, v3  }
0xec: {  	v4 =	vld [tilespmem:$0x3600]  }
0xed: {  	v6 =	vld [tilespmem:$0x3680];
	v0 =	vadd.f32 v1, v0;
	v3 =	vadd.f32 v5, v3  }
0xee: {  	v5 =	vld [tilespmem:$0x3690]  }
0xef: {  	v56 =	vld [tilespmem:$0x3980];
	v0 =	vadd.f32 v2, v0;
	v3 =	vadd.f32 v7, v3  }
0xf0: {  	v7 =	vld [tilespmem:$0x3710]  }
0xf1: {  	v58 =	vld [tilespmem:$0x3A90];
	v0 =	vadd.f32 v4, v0;
	v3 =	vadd.f32 v54, v3  }
0xf2: {  	v1 =	vld [tilespmem:$0x3780]  }
0xf3: {  	v2 =	vld [tilespmem:$0x3800];
	v0 =	vadd.f32 v6, v0;
	v3 =	vadd.f32 v5, v3  }
0xf4: {  	v5 =	vld [tilespmem:$0x3810]  }
0xf5: {  	v4 =	vld [tilespmem:$0x3880];
	v0 =	vadd.f32 v53, v0;
	v3 =	vadd.f32 v7, v3  }
0xf6: {  	v7 =	vld [tilespmem:$0x3890]  }
0xf7: {  	v57 =	vld [tilespmem:$0x3910];
	v0 =	vadd.f32 v1, v0;
	v3 =	vadd.f32 v55, v3  }
0xf8: {  	v6 =	vld [tilespmem:$0x3900]  }
0xf9: {  	v59 =	vld [tilespmem:$0x3C00];
	v0 =	vadd.f32 v2, v0;
	v3 =	vadd.f32 v5, v3  }
0xfa: {  	v5 =	vld [tilespmem:$0x3990]  }
0xfb: {  	v1 =	vld [tilespmem:$0x3A00];
	v0 =	vadd.f32 v4, v0;
	v3 =	vadd.f32 v7, v3  }
0xfc: {  	v7 =	vld [tilespmem:$0x3A10]  }
0xfd: {  	v61 =	vld [tilespmem:$0x3E80];
	v0 =	vadd.f32 v6, v0;
	v3 =	vadd.f32 v57, v3  }
0xfe: {  	v2 =	vld [tilespmem:$0x3A80]  }
0xff: {  	v4 =	vld [tilespmem:$0x3B00];
	v0 =	vadd.f32 v56, v0;
	v3 =	vadd.f32 v5, v3  }
0x100: {  	v5 =	vld [tilespmem:$0x3B10]  }
0x101: {  	v6 =	vld [tilespmem:$0x3B80];
	v0 =	vadd.f32 v1, v0;
	v3 =	vadd.f32 v7, v3  }
0x102: {  	v7 =	vld [tilespmem:$0x3B90]  }
0x103: {  	v60 =	vld [tilespmem:$0x3C10];
	v0 =	vadd.f32 v2, v0;
	v3 =	vadd.f32 v58, v3  }
0x104: {  	v62 =	vld [tilespmem:$0x3D90]  }
0x105: {  	v1 =	vld [tilespmem:$0x3C80];
	v0 =	vadd.f32 v4, v0;
	v3 =	vadd.f32 v5, v3  }
0x106: {  	v5 =	vld [tilespmem:$0x3C90]  }
0x107: {  	v2 =	vld [tilespmem:$0x3D00];
	v0 =	vadd.f32 v6, v0;
	v3 =	vadd.f32 v7, v3  }
0x108: {  	v7 =	vld [tilespmem:$0x3D10]  }
0x109: {  	v63 =	vld [tilespmem:$0x3F10];
	v0 =	vadd.f32 v59, v0;
	v3 =	vadd.f32 v60, v3  }
0x10a: {  	v4 =	vld [tilespmem:$0x3D80]  }
0x10b: {  	v6 =	vld [tilespmem:$0x3E00];
	v0 =	vadd.f32 v1, v0;
	v3 =	vadd.f32 v5, v3  }
0x10c: {  	v5 =	vld [tilespmem:$0x3E10]  }
0x10d: {  	v1 =	vld [tilespmem:$0x3F00];
	v0 =	vadd.f32 v2, v0;
	v2 =	vadd.f32 v7, v3  }
0x10e: {  	s11 =	simm.s32 $0x0;
	v3 =	vld [tilespmem:$0x3E90]  }
0x10f: {  	v7 =	vld [tilespmem:s11+$0x4010];
	v0 =	vadd.f32 v4, v0;
	v2 =	vadd.f32 v62, v2  }
0x110: {  	v4 =	vld [tilespmem:s11+$0x4000]  }
0x111: {  	v0 =	vadd.f32 v6, v0;
	v2 =	vadd.f32 v5, v2;
	_ =	sdelay $0x1  }
0x112: {  	v5 =	vld [tilespmem:$0x3F90];
	v0 =	vadd.f32 v61, v0;
	v2 =	vadd.f32 v3, v2  }
0x113: {  	s12 =	simm.s32 $0x80;
	v6 =	vld [tilespmem:$0x3F80];
	v3 =	vcvt.s32.f32 v7  }
0x114: {  	v4 =	vcvt.s32.f32 v4;
	v0 =	vadd.f32 v1, v0;
	v1 =	vadd.f32 v63, v2;
	v2 =	vld [tilespmem:s12+$0x4010]  }
0x115: {  	v7 =	vadd.f32 v3, v3;
	v3 =	vld [tilespmem:s12+$0x4000]  }
0x116: {  	v4 =	vadd.f32 v4, v4  }
0x117: {  	v1 =	vadd.f32 v5, v1;
	v5 =	vadd.f32 $-1.000000000e+00, v7  }
0x118: {  	s13 =	simm.s32 $0x400;
	v0 =	vadd.f32 v6, v0;
	v4 =	vadd.f32 $-1.000000000e+00, v4  }
.LBB2_2:
0x119: {  	s14 =	sshra.s32 s13, $0x2;
	p0 =	sne.s32 s13, $0x1FE00;
	s13 =	sadd.s32 $0x200, s13;
	v6 =	vcvt.s32.f32 v2;
	v5 =	vmul.f32 v5, v1  }
.Ltmp0:
0x11a: {  	v2 =	vld [tilespmem:s14+$0x4010];
	v7 =	vcvt.s32.f32 v3;
	v4 =	vmul.f32 v4, v0;
	(pc) =	sbr.rel @p0 .LBB2_2-.Ltmp0, $4  }
0x11b: {  	v3 =	vld [tilespmem:s14+$0x4000];
	v6 =	vadd.f32 v6, v6;
	[tilespmem:s11+$0xC010] =	vst v5  }
0x11c: {  	v7 =	vadd.f32 v7, v7;
	[tilespmem:s11+$0xC000] =	vst v4;
	s11 =	smov.u32 s12;
	s12 =	smov.u32 s14  }
0x11d: {  	v5 =	vadd.f32 $-1.000000000e+00, v6  }
0x11e: {  	v4 =	vadd.f32 $-1.000000000e+00, v7  }
0x11f: {  	v2 =	vcvt.s32.f32 v2  }
0x120: {  	v3 =	vcvt.s32.f32 v3  }
0x121: {  	v2 =	vadd.f32 v2, v2  }
0x122: {  	v3 =	vadd.f32 v3, v3  }
0x123: {  	v5 =	vmul.f32 v5, v1;
	v2 =	vadd.f32 $-1.000000000e+00, v2  }
0x124: {  	v4 =	vmul.f32 v4, v0;
	v3 =	vadd.f32 $-1.000000000e+00, v3  }
0x125: {  	[tilespmem:s11+$0xC010] =	vst v5;
	v62 =	vmul.f32 v2, v1  }
0x126: {  	s10 =	sadd.s32 $0x1, s10;
	[tilespmem:s11+$0xC000] =	vst v4;
	v63 =	vmul.f32 v3, v0  }
0x127: {  	p0 =	sne.s32 s10, s6;
	[tilespmem:s12+$0xC010] =	vst v62  }
.Ltmp1:
0x128: {  	[tilespmem:s12+$0xC000] =	vst v63;
	(pc) =	sbr.rel @p0 .LBB2_1-.Ltmp1, $4  }
0x129: {  	[hbm4b:s5+s3] =	stream.linear.scatter [tilespmem:s9], [sflag:$0x1], $0x8000, $0x38;
	[tilespmem:$0x14000] =	vst v63  }
0x12a: {  	_ =	swait.ge [sflag:s7], $0x8000  }
0x12b: {  	[sflag:s7] =	ssyncset.done $0x0  }
0x12c: {  	[sflag:s7] =	ssyncadd.s32 $0xFFFF8000  }
0x12d: {  	_ =	sfence.sel $0x180000  }
0x12e: {  	[bflag:$0x0] =	sbarrier.arrive $0xFFFF  }
0x12f: {  	p0 =	sne.s32 s1, $0x0;
	_ =	strace $0x90000047  }
0x130: {  	s0 =	sadd.s32 @!p0 $0x100000, s0;
	[bflag:$0x2] =	sbarrier.arrive $0xFFFF  }
0x131: {  	[sflag:s0] =	ssyncadd.tile.s32 @!p0 $0x1;
	_ =	shalt  }
.Lfunc_end2:
_tile_overlayer_lowered:
.L_overlay_start_2:
0x132: {  	(tag) =	ssettag $0x2  }
0x133: {  	s0 =	rddreg [dreg:$0x0];
	s2 =	stileid.u32  }
0x134: {  	s1 =	rddreg [dreg:$0x1];
	p0 =	sne.s32 s2, $0x0  }
0x135: {  	s3 =	rddreg [dreg:$0x2];
	[bflag:$0x3] =	sbarrier.arrive $0xFFFF;
	s2 =	simm.s32 @!p0 $0x1C01  }
0x136: {  	[timem:s3], [sflag:s2] =	dma.local @!p0 [hbm:s0], s1  }
0x137: {  	s0 =	simm.s32 @!p0 $0x1  }
0x138: {  	_ =	swait.ge @!p0 [sflag:s0], s1  }
0x139: {  	s1 =	ssub.s32 @!p0 $0x0, s1;
	[sflag:s0] =	ssyncset.done @!p0 $0x0  }
0x13a: {  	[sflag:s0] =	ssyncadd.s32 @!p0 s1  }
0x13b: {  	[bflag:$0x3] =	sbarrier.arrive $0xFFFF  }
0x13c: {  	_ =	shalt  }

</sc_bundles>
